<compile_context>
chip_gen: v7x
topology: tpu7x:2x2x1
jax: 0.10.2.dev20260603
libtpu: 0.0.44.dev20260713+nightly
codegen_flags: <defaults>
</compile_context>

<pallas_src>
import functools
import math

import jax
import jax.numpy as jnp
from jax import lax
from jax.experimental import pallas as pl
from jax.experimental.pallas import tpu as pltpu
from jax.experimental.pallas import tpu_sc as plsc

_D = 128
_SCALE = math.sqrt(float(_D))
_NC = 2
_NS = 16
_NW = _NC * _NS
_C = 128
_NBUF = 5


def _scale_body(t_ref, o_ref):
    o_ref[...] = t_ref[...] * _SCALE


def _scale_table(table):
    v, d = table.shape
    blk = 2000
    return pl.pallas_call(
        _scale_body,
        out_shape=jax.ShapeDtypeStruct((v, d), table.dtype),
        grid=(v // blk,),
        in_specs=[pl.BlockSpec((blk, d), lambda i: (i, 0))],
        out_specs=pl.BlockSpec((blk, d), lambda i: (i, 0)),
    )(table)


def _make_gather(bsz):
    b_per_w = bsz // _NW
    n_chunks = b_per_w // _C
    assert n_chunks % _NBUF == 0
    mesh = plsc.VectorSubcoreMesh(
        core_axis_name="c", subcore_axis_name="s",
        num_cores=_NC, num_subcores=_NS)

    @functools.partial(
        pl.kernel,
        out_type=jax.ShapeDtypeStruct((bsz, _D), jnp.float32),
        mesh=mesh,
        scratch_types=[
            pltpu.VMEM((n_chunks, _C), jnp.int32),
            [pltpu.VMEM((_C, _D), jnp.float32) for _ in range(_NBUF)],
            [pltpu.SemaphoreType.DMA for _ in range(_NBUF)],
            [pltpu.SemaphoreType.DMA for _ in range(_NBUF)],
        ],
    )
    def gather(idx_hbm, table_hbm, out_hbm, idx_all, rows, sg, so):
        wid = lax.axis_index("s") * _NC + lax.axis_index("c")
        row0 = wid * n_chunks
        base0 = wid * b_per_w

        pltpu.sync_copy(idx_hbm.at[pl.ds(row0, n_chunks)], idx_all)

        def fire_gather(i, b):
            pltpu.async_copy(table_hbm.at[idx_all.at[i]], rows[b], sg[b])

        def wait_gather(i, b):
            pltpu.make_async_copy(
                table_hbm.at[idx_all.at[i]], rows[b], sg[b]).wait()

        def fire_out(i, b):
            base = base0 + i * _C
            pltpu.async_copy(rows[b], out_hbm.at[pl.ds(base, _C)], so[b])

        def wait_out(b):
            pltpu.make_async_copy(
                rows[b], out_hbm.at[pl.ds(base0, _C)], so[b]).wait()

        for b in range(_NBUF):
            fire_gather(b, b)

        @pl.loop(0, n_chunks // _NBUF)
        def _round(p):
            for b in range(_NBUF):
                i = p * _NBUF + b
                wait_gather(i, b)

                @pl.loop(0, _C, unroll=2)
                def _scale(r):
                    for c in range(_D // 16):
                        sl = (r, pl.ds(c * 16, 16))
                        rows[b][sl] = rows[b][sl] * _SCALE

                fire_out(i, b)

                @pl.when(p + 1 < n_chunks // _NBUF)
                def _():
                    wait_out(b)
                    fire_gather(i + _NBUF, b)

        for b in range(_NBUF):
            wait_out(b)

    return gather


def kernel(x, table):
    s0, s1 = x.shape
    bsz = s0 * s1
    idx = x.reshape(bsz // _C, _C).astype(jnp.int32)
    out = _make_gather(bsz)(idx, table)
    return out.reshape(s0, s1, _D)

# --- scband reference (transcript-rebuilt; emitter-appended) ---
"""Pipeline reference for scband-embeddings-82738249990723 (READ-ONLY COPY).

The authoritative reference and input builder live on the scoring server;
editing this copy changes nothing except your own understanding.
"""

import jax, jax.numpy as jnp
import numpy as np
import math

D_MODEL = 128
VOCAB = 100000

def setup_inputs(seed: int = 0) -> dict:
    key = jax.random.key(seed)
    k1, k2 = jax.random.split(key)
    x = jax.random.randint(k1, (4096, 200), 0, VOCAB, dtype=jnp.int64)
    table = jax.random.normal(k2, (VOCAB, D_MODEL), dtype=jnp.float32)
    return {"x": x, "table": table}

def reference(x, table):
    # Embedding lookup followed by scaling by sqrt(d_model)
    emb = jnp.take(table, x, axis=0)
    return emb * math.sqrt(D_MODEL)

if __name__ == "__main__":
    import jax
    _d = setup_inputs()
    print(jax.jit(kernel)(*tuple(_d.values())))

</pallas_src>

<mosaic_0001>
#map = affine_map<(d0, d1) -> (0, 0)>
module attributes {stable_mosaic.version = 14 : i64} {
  func.func @gather(%arg0: i32, %arg1: i32, %arg2: memref<6400x128xi32, #tpu.memory_space<hbm>>, %arg3: memref<100000x128xf32, #tpu.memory_space<hbm>>, %arg4: memref<819200x128xf32, #tpu.memory_space<hbm>>, %arg5: memref<200x128xi32, #tpu.memory_space<vmem>>, %arg6: memref<128x128xf32, #tpu.memory_space<vmem>>, %arg7: memref<128x128xf32, #tpu.memory_space<vmem>>, %arg8: memref<128x128xf32, #tpu.memory_space<vmem>>, %arg9: memref<128x128xf32, #tpu.memory_space<vmem>>, %arg10: memref<128x128xf32, #tpu.memory_space<vmem>>, %arg11: memref<!tpu.dma_semaphore, #tpu.memory_space<semaphore_mem>>, %arg12: memref<!tpu.dma_semaphore, #tpu.memory_space<semaphore_mem>>, %arg13: memref<!tpu.dma_semaphore, #tpu.memory_space<semaphore_mem>>, %arg14: memref<!tpu.dma_semaphore, #tpu.memory_space<semaphore_mem>>, %arg15: memref<!tpu.dma_semaphore, #tpu.memory_space<semaphore_mem>>, %arg16: memref<!tpu.dma_semaphore, #tpu.memory_space<semaphore_mem>>, %arg17: memref<!tpu.dma_semaphore, #tpu.memory_space<semaphore_mem>>, %arg18: memref<!tpu.dma_semaphore, #tpu.memory_space<semaphore_mem>>, %arg19: memref<!tpu.dma_semaphore, #tpu.memory_space<semaphore_mem>>, %arg20: memref<!tpu.dma_semaphore, #tpu.memory_space<semaphore_mem>>) attributes {dimension_semantics = [#tpu.dimension_semantics<core_parallel>, #tpu.dimension_semantics<subcore_parallel>], iteration_bounds = array<i64: 2, 16>, scalar_prefetch = 0 : i64, scratch_operands = 16 : i64, tpu.core_type = #tpu.core_type<sc_vector_subcore>, window_params = [{transform_indices = #map}, {transform_indices = #map}, {transform_indices = #map}]} {
    %mul3A = arith.constant 2 : i32
    %mul3A_0 = arith.muli %arg1, %mul3A : i32
    %add3A = arith.addi %mul3A_0, %arg0 : i32
    %mul3A_1 = arith.constant 200 : i32
    %mul3A_2 = arith.muli %add3A, %mul3A_1 : i32
    %mul3A_3 = arith.constant 25600 : i32
    %mul3A_4 = arith.muli %add3A, %mul3A_3 : i32
    "tpu.region"() ({
      %run_scoped3A = tpu.sem_alloc : memref<!tpu.dma_semaphore, #tpu.memory_space<semaphore_mem>>
      %dma_start3A_62 = arith.constant 0 : i32
      %dma_start3A_63 = tpu.memref_slice %arg2[%mul3A_2, %dma_start3A_62] : memref<6400x128xi32, #tpu.memory_space<hbm>> -> memref<200x128xi32, #tpu.memory_space<hbm>>
      %dma_start3A_64 = arith.constant 0 : i32
      %dma_start3A_65 = tpu.memref_slice %arg2[%mul3A_2, %dma_start3A_64] : memref<6400x128xi32, #tpu.memory_space<hbm>> -> memref<200x128xi32, #tpu.memory_space<hbm>>
      tpu.enqueue_dma source(%dma_start3A_65 : memref<200x128xi32, #tpu.memory_space<hbm>>) target(%arg5 : memref<200x128xi32, #tpu.memory_space<vmem>>) target_semaphore(%run_scoped3A : memref<!tpu.dma_semaphore, #tpu.memory_space<semaphore_mem>>)
      %dma_wait3A_66 = arith.constant 0 : i32
      %dma_wait3A_67 = tpu.memref_slice %arg2[%mul3A_2, %dma_wait3A_66] : memref<6400x128xi32, #tpu.memory_space<hbm>> -> memref<200x128xi32, #tpu.memory_space<hbm>>
      %dma_wait3A_68 = arith.constant 0 : i32
      %dma_wait3A_69 = tpu.memref_slice %arg2[%mul3A_2, %dma_wait3A_68] : memref<6400x128xi32, #tpu.memory_space<hbm>> -> memref<200x128xi32, #tpu.memory_space<hbm>>
      tpu.wait_dma2 semaphore(%run_scoped3A : memref<!tpu.dma_semaphore, #tpu.memory_space<semaphore_mem>>) src(%dma_wait3A_69 : memref<200x128xi32, #tpu.memory_space<hbm>>) dst(%arg5 : memref<200x128xi32, #tpu.memory_space<vmem>>)
      tpu.yield
    }) : () -> ()
    %dma_start3A = arith.constant 0 : i32
    %dma_start3A_5 = arith.constant 0 : i32
    %dma_start3A_6 = tpu.memref_slice %arg5[%dma_start3A, %dma_start3A_5] : memref<200x128xi32, #tpu.memory_space<vmem>> -> memref<1x128xi32, #tpu.memory_space<vmem>>
    %dma_start3A_7 = tpu.memref_squeeze %dma_start3A_6 : memref<1x128xi32, #tpu.memory_space<vmem>> -> memref<128xi32, #tpu.memory_space<vmem>>
    %dma_start3A_8 = arith.constant 0 : i32
    %dma_start3A_9 = arith.constant 0 : i32
    %dma_start3A_10 = tpu.memref_slice %arg3[%dma_start3A_8, %dma_start3A_9] : memref<100000x128xf32, #tpu.memory_space<hbm>> -> memref<100000x128xf32, #tpu.memory_space<hbm>>
    tpu.enqueue_indirect_dma source(%dma_start3A_10 : memref<100000x128xf32, #tpu.memory_space<hbm>>) target(%arg6 : memref<128x128xf32, #tpu.memory_space<vmem>>) offsets(%dma_start3A_7 : memref<128xi32, #tpu.memory_space<vmem>>) semaphore(%arg11 : memref<!tpu.dma_semaphore, #tpu.memory_space<semaphore_mem>>)
    %dma_start3A_11 = arith.constant 1 : i32
    %dma_start3A_12 = arith.constant 0 : i32
    %dma_start3A_13 = tpu.memref_slice %arg5[%dma_start3A_11, %dma_start3A_12] : memref<200x128xi32, #tpu.memory_space<vmem>> -> memref<1x128xi32, #tpu.memory_space<vmem>>
    %dma_start3A_14 = tpu.memref_squeeze %dma_start3A_13 : memref<1x128xi32, #tpu.memory_space<vmem>> -> memref<128xi32, #tpu.memory_space<vmem>>
    %dma_start3A_15 = arith.constant 0 : i32
    %dma_start3A_16 = arith.constant 0 : i32
    %dma_start3A_17 = tpu.memref_slice %arg3[%dma_start3A_15, %dma_start3A_16] : memref<100000x128xf32, #tpu.memory_space<hbm>> -> memref<100000x128xf32, #tpu.memory_space<hbm>>
    tpu.enqueue_indirect_dma source(%dma_start3A_17 : memref<100000x128xf32, #tpu.memory_space<hbm>>) target(%arg7 : memref<128x128xf32, #tpu.memory_space<vmem>>) offsets(%dma_start3A_14 : memref<128xi32, #tpu.memory_space<vmem>>) semaphore(%arg12 : memref<!tpu.dma_semaphore, #tpu.memory_space<semaphore_mem>>)
    %dma_start3A_18 = arith.constant 2 : i32
    %dma_start3A_19 = arith.constant 0 : i32
    %dma_start3A_20 = tpu.memref_slice %arg5[%dma_start3A_18, %dma_start3A_19] : memref<200x128xi32, #tpu.memory_space<vmem>> -> memref<1x128xi32, #tpu.memory_space<vmem>>
    %dma_start3A_21 = tpu.memref_squeeze %dma_start3A_20 : memref<1x128xi32, #tpu.memory_space<vmem>> -> memref<128xi32, #tpu.memory_space<vmem>>
    %dma_start3A_22 = arith.constant 0 : i32
    %dma_start3A_23 = arith.constant 0 : i32
    %dma_start3A_24 = tpu.memref_slice %arg3[%dma_start3A_22, %dma_start3A_23] : memref<100000x128xf32, #tpu.memory_space<hbm>> -> memref<100000x128xf32, #tpu.memory_space<hbm>>
    tpu.enqueue_indirect_dma source(%dma_start3A_24 : memref<100000x128xf32, #tpu.memory_space<hbm>>) target(%arg8 : memref<128x128xf32, #tpu.memory_space<vmem>>) offsets(%dma_start3A_21 : memref<128xi32, #tpu.memory_space<vmem>>) semaphore(%arg13 : memref<!tpu.dma_semaphore, #tpu.memory_space<semaphore_mem>>)
    %dma_start3A_25 = arith.constant 3 : i32
    %dma_start3A_26 = arith.constant 0 : i32
    %dma_start3A_27 = tpu.memref_slice %arg5[%dma_start3A_25, %dma_start3A_26] : memref<200x128xi32, #tpu.memory_space<vmem>> -> memref<1x128xi32, #tpu.memory_space<vmem>>
    %dma_start3A_28 = tpu.memref_squeeze %dma_start3A_27 : memref<1x128xi32, #tpu.memory_space<vmem>> -> memref<128xi32, #tpu.memory_space<vmem>>
    %dma_start3A_29 = arith.constant 0 : i32
    %dma_start3A_30 = arith.constant 0 : i32
    %dma_start3A_31 = tpu.memref_slice %arg3[%dma_start3A_29, %dma_start3A_30] : memref<100000x128xf32, #tpu.memory_space<hbm>> -> memref<100000x128xf32, #tpu.memory_space<hbm>>
    tpu.enqueue_indirect_dma source(%dma_start3A_31 : memref<100000x128xf32, #tpu.memory_space<hbm>>) target(%arg9 : memref<128x128xf32, #tpu.memory_space<vmem>>) offsets(%dma_start3A_28 : memref<128xi32, #tpu.memory_space<vmem>>) semaphore(%arg14 : memref<!tpu.dma_semaphore, #tpu.memory_space<semaphore_mem>>)
    %dma_start3A_32 = arith.constant 4 : i32
    %dma_start3A_33 = arith.constant 0 : i32
    %dma_start3A_34 = tpu.memref_slice %arg5[%dma_start3A_32, %dma_start3A_33] : memref<200x128xi32, #tpu.memory_space<vmem>> -> memref<1x128xi32, #tpu.memory_space<vmem>>
    %dma_start3A_35 = tpu.memref_squeeze %dma_start3A_34 : memref<1x128xi32, #tpu.memory_space<vmem>> -> memref<128xi32, #tpu.memory_space<vmem>>
    %dma_start3A_36 = arith.constant 0 : i32
    %dma_start3A_37 = arith.constant 0 : i32
    %dma_start3A_38 = tpu.memref_slice %arg3[%dma_start3A_36, %dma_start3A_37] : memref<100000x128xf32, #tpu.memory_space<hbm>> -> memref<100000x128xf32, #tpu.memory_space<hbm>>
    tpu.enqueue_indirect_dma source(%dma_start3A_38 : memref<100000x128xf32, #tpu.memory_space<hbm>>) target(%arg10 : memref<128x128xf32, #tpu.memory_space<vmem>>) offsets(%dma_start3A_35 : memref<128xi32, #tpu.memory_space<vmem>>) semaphore(%arg15 : memref<!tpu.dma_semaphore, #tpu.memory_space<semaphore_mem>>)
    %scan3A = arith.constant 0 : i32
    %scan3A_39 = arith.constant 40 : i32
    %scan3A_40 = arith.addi %scan3A, %scan3A_39 : i32
    %scan3A_41 = arith.constant 1 : i32
    scf.for %scan3A_62 = %scan3A to %scan3A_40 step %scan3A_41  : i32 {
      %mul3A_63 = arith.constant 1 : i32
      %mul3A_64 = arith.muli %scan3A_62, %mul3A_63 : i32
      %add3A_65 = arith.constant 0 : i32
      %add3A_66 = arith.addi %add3A_65, %mul3A_64 : i32
      %mul3A_67 = arith.constant 5 : i32
      %mul3A_68 = arith.muli %add3A_66, %mul3A_67 : i32
      %add3A_69 = arith.constant 0 : i32
      %add3A_70 = arith.addi %mul3A_68, %add3A_69 : i32
      %dma_wait3A_71 = arith.constant 0 : i32
      %dma_wait3A_72 = tpu.memref_slice %arg5[%add3A_70, %dma_wait3A_71] : memref<200x128xi32, #tpu.memory_space<vmem>> -> memref<1x128xi32, #tpu.memory_space<vmem>>
      %dma_wait3A_73 = tpu.memref_squeeze %dma_wait3A_72 : memref<1x128xi32, #tpu.memory_space<vmem>> -> memref<128xi32, #tpu.memory_space<vmem>>
      %dma_wait3A_74 = arith.constant 0 : i32
      %dma_wait3A_75 = arith.constant 0 : i32
      %dma_wait3A_76 = tpu.memref_slice %arg3[%dma_wait3A_74, %dma_wait3A_75] : memref<100000x128xf32, #tpu.memory_space<hbm>> -> memref<100000x128xf32, #tpu.memory_space<hbm>>
      tpu.wait_indirect_dma semaphore(%arg11 : memref<!tpu.dma_semaphore, #tpu.memory_space<semaphore_mem>>) src(%dma_wait3A_76 : memref<100000x128xf32, #tpu.memory_space<hbm>>) dst(%arg6 : memref<128x128xf32, #tpu.memory_space<vmem>>)
      %scan3A_77 = arith.constant 0 : i32
      %scan3A_78 = arith.constant 128 : i32
      %scan3A_79 = arith.addi %scan3A_77, %scan3A_78 : i32
      %scan3A_80 = arith.constant 2 : i32
      scf.for %scan3A_209 = %scan3A_77 to %scan3A_79 step %scan3A_80  : i32 {
        %mul3A_210 = arith.constant 1 : i32
        %mul3A_211 = arith.muli %scan3A_209, %mul3A_210 : i32
        %add3A_212 = arith.constant 0 : i32
        %add3A_213 = arith.addi %add3A_212, %mul3A_211 : i32
        %get3A = arith.index_cast %add3A_213 : i32 to index
        %get3A_214 = arith.constant 0 : index
        %get3A_215 = tpu.vector_load %arg6[%get3A, %get3A_214] {strides = array<i32>} : memref<128x128xf32, #tpu.memory_space<vmem>>, vector<1x16xf32>,
        %get3A_216 = vector.shape_cast %get3A_215 : vector<1x16xf32> to vector<16xf32>
        %mul3A_217 = arith.constant 11.3137083 : f32
        %mul3A_218 = vector.broadcast %mul3A_217 : f32 to vector<16xf32>
        %mul3A_219 = arith.mulf %get3A_216, %mul3A_218 : vector<16xf32>
        %swap3A = arith.index_cast %add3A_213 : i32 to index
        %swap3A_220 = arith.constant 0 : index
        %swap3A_221 = tpu.vector_load %arg6[%swap3A, %swap3A_220] {strides = array<i32>} : memref<128x128xf32, #tpu.memory_space<vmem>>, vector<1x16xf32>,
        %swap3A_222 = vector.shape_cast %swap3A_221 : vector<1x16xf32> to vector<16xf32>
        %swap3A_223 = vector.shape_cast %mul3A_219 : vector<16xf32> to vector<1x16xf32>
        tpu.vector_store %arg6[%swap3A, %swap3A_220], %swap3A_223 {strides = array<i32>} : memref<128x128xf32, #tpu.memory_space<vmem>>, vector<1x16xf32>,
        %get3A_224 = arith.index_cast %add3A_213 : i32 to index
        %get3A_225 = arith.constant 16 : index
        %get3A_226 = tpu.vector_load %arg6[%get3A_224, %get3A_225] {strides = array<i32>} : memref<128x128xf32, #tpu.memory_space<vmem>>, vector<1x16xf32>,
        %get3A_227 = vector.shape_cast %get3A_226 : vector<1x16xf32> to vector<16xf32>
        %mul3A_228 = arith.constant 11.3137083 : f32
        %mul3A_229 = vector.broadcast %mul3A_228 : f32 to vector<16xf32>
        %mul3A_230 = arith.mulf %get3A_227, %mul3A_229 : vector<16xf32>
        %swap3A_231 = arith.index_cast %add3A_213 : i32 to index
        %swap3A_232 = arith.constant 16 : index
        %swap3A_233 = tpu.vector_load %arg6[%swap3A_231, %swap3A_232] {strides = array<i32>} : memref<128x128xf32, #tpu.memory_space<vmem>>, vector<1x16xf32>,
        %swap3A_234 = vector.shape_cast %swap3A_233 : vector<1x16xf32> to vector<16xf32>
        %swap3A_235 = vector.shape_cast %mul3A_230 : vector<16xf32> to vector<1x16xf32>
        tpu.vector_store %arg6[%swap3A_231, %swap3A_232], %swap3A_235 {strides = array<i32>} : memref<128x128xf32, #tpu.memory_space<vmem>>, vector<1x16xf32>,
        %get3A_236 = arith.index_cast %add3A_213 : i32 to index
        %get3A_237 = arith.constant 32 : index
        %get3A_238 = tpu.vector_load %arg6[%get3A_236, %get3A_237] {strides = array<i32>} : memref<128x128xf32, #tpu.memory_space<vmem>>, vector<1x16xf32>,
        %get3A_239 = vector.shape_cast %get3A_238 : vector<1x16xf32> to vector<16xf32>
        %mul3A_240 = arith.constant 11.3137083 : f32
        %mul3A_241 = vector.broadcast %mul3A_240 : f32 to vector<16xf32>
        %mul3A_242 = arith.mulf %get3A_239, %mul3A_241 : vector<16xf32>
        %swap3A_243 = arith.index_cast %add3A_213 : i32 to index
        %swap3A_244 = arith.constant 32 : index
        %swap3A_245 = tpu.vector_load %arg6[%swap3A_243, %swap3A_244] {strides = array<i32>} : memref<128x128xf32, #tpu.memory_space<vmem>>, vector<1x16xf32>,
        %swap3A_246 = vector.shape_cast %swap3A_245 : vector<1x16xf32> to vector<16xf32>
        %swap3A_247 = vector.shape_cast %mul3A_242 : vector<16xf32> to vector<1x16xf32>
        tpu.vector_store %arg6[%swap3A_243, %swap3A_244], %swap3A_247 {strides = array<i32>} : memref<128x128xf32, #tpu.memory_space<vmem>>, vector<1x16xf32>,
        %get3A_248 = arith.index_cast %add3A_213 : i32 to index
        %get3A_249 = arith.constant 48 : index
        %get3A_250 = tpu.vector_load %arg6[%get3A_248, %get3A_249] {strides = array<i32>} : memref<128x128xf32, #tpu.memory_space<vmem>>, vector<1x16xf32>,
        %get3A_251 = vector.shape_cast %get3A_250 : vector<1x16xf32> to vector<16xf32>
        %mul3A_252 = arith.constant 11.3137083 : f32
        %mul3A_253 = vector.broadcast %mul3A_252 : f32 to vector<16xf32>
        %mul3A_254 = arith.mulf %get3A_251, %mul3A_253 : vector<16xf32>
        %swap3A_255 = arith.index_cast %add3A_213 : i32 to index
        %swap3A_256 = arith.constant 48 : index
        %swap3A_257 = tpu.vector_load %arg6[%swap3A_255, %swap3A_256] {strides = array<i32>} : memref<128x128xf32, #tpu.memory_space<vmem>>, vector<1x16xf32>,
        %swap3A_258 = vector.shape_cast %swap3A_257 : vector<1x16xf32> to vector<16xf32>
        %swap3A_259 = vector.shape_cast %mul3A_254 : vector<16xf32> to vector<1x16xf32>
        tpu.vector_store %arg6[%swap3A_255, %swap3A_256], %swap3A_259 {strides = array<i32>} : memref<128x128xf32, #tpu.memory_space<vmem>>, vector<1x16xf32>,
        %get3A_260 = arith.index_cast %add3A_213 : i32 to index
        %get3A_261 = arith.constant 64 : index
        %get3A_262 = tpu.vector_load %arg6[%get3A_260, %get3A_261] {strides = array<i32>} : memref<128x128xf32, #tpu.memory_space<vmem>>, vector<1x16xf32>,
        %get3A_263 = vector.shape_cast %get3A_262 : vector<1x16xf32> to vector<16xf32>
        %mul3A_264 = arith.constant 11.3137083 : f32
        %mul3A_265 = vector.broadcast %mul3A_264 : f32 to vector<16xf32>
        %mul3A_266 = arith.mulf %get3A_263, %mul3A_265 : vector<16xf32>
        %swap3A_267 = arith.index_cast %add3A_213 : i32 to index
        %swap3A_268 = arith.constant 64 : index
        %swap3A_269 = tpu.vector_load %arg6[%swap3A_267, %swap3A_268] {strides = array<i32>} : memref<128x128xf32, #tpu.memory_space<vmem>>, vector<1x16xf32>,
        %swap3A_270 = vector.shape_cast %swap3A_269 : vector<1x16xf32> to vector<16xf32>
        %swap3A_271 = vector.shape_cast %mul3A_266 : vector<16xf32> to vector<1x16xf32>
        tpu.vector_store %arg6[%swap3A_267, %swap3A_268], %swap3A_271 {strides = array<i32>} : memref<128x128xf32, #tpu.memory_space<vmem>>, vector<1x16xf32>,
        %get3A_272 = arith.index_cast %add3A_213 : i32 to index
        %get3A_273 = arith.constant 80 : index
        %get3A_274 = tpu.vector_load %arg6[%get3A_272, %get3A_273] {strides = array<i32>} : memref<128x128xf32, #tpu.memory_space<vmem>>, vector<1x16xf32>,
        %get3A_275 = vector.shape_cast %get3A_274 : vector<1x16xf32> to vector<16xf32>
        %mul3A_276 = arith.constant 11.3137083 : f32
        %mul3A_277 = vector.broadcast %mul3A_276 : f32 to vector<16xf32>
        %mul3A_278 = arith.mulf %get3A_275, %mul3A_277 : vector<16xf32>
        %swap3A_279 = arith.index_cast %add3A_213 : i32 to index
        %swap3A_280 = arith.constant 80 : index
        %swap3A_281 = tpu.vector_load %arg6[%swap3A_279, %swap3A_280] {strides = array<i32>} : memref<128x128xf32, #tpu.memory_space<vmem>>, vector<1x16xf32>,
        %swap3A_282 = vector.shape_cast %swap3A_281 : vector<1x16xf32> to vector<16xf32>
        %swap3A_283 = vector.shape_cast %mul3A_278 : vector<16xf32> to vector<1x16xf32>
        tpu.vector_store %arg6[%swap3A_279, %swap3A_280], %swap3A_283 {strides = array<i32>} : memref<128x128xf32, #tpu.memory_space<vmem>>, vector<1x16xf32>,
        %get3A_284 = arith.index_cast %add3A_213 : i32 to index
        %get3A_285 = arith.constant 96 : index
        %get3A_286 = tpu.vector_load %arg6[%get3A_284, %get3A_285] {strides = array<i32>} : memref<128x128xf32, #tpu.memory_space<vmem>>, vector<1x16xf32>,
        %get3A_287 = vector.shape_cast %get3A_286 : vector<1x16xf32> to vector<16xf32>
        %mul3A_288 = arith.constant 11.3137083 : f32
        %mul3A_289 = vector.broadcast %mul3A_288 : f32 to vector<16xf32>
        %mul3A_290 = arith.mulf %get3A_287, %mul3A_289 : vector<16xf32>
        %swap3A_291 = arith.index_cast %add3A_213 : i32 to index
        %swap3A_292 = arith.constant 96 : index
        %swap3A_293 = tpu.vector_load %arg6[%swap3A_291, %swap3A_292] {strides = array<i32>} : memref<128x128xf32, #tpu.memory_space<vmem>>, vector<1x16xf32>,
        %swap3A_294 = vector.shape_cast %swap3A_293 : vector<1x16xf32> to vector<16xf32>
        %swap3A_295 = vector.shape_cast %mul3A_290 : vector<16xf32> to vector<1x16xf32>
        tpu.vector_store %arg6[%swap3A_291, %swap3A_292], %swap3A_295 {strides = array<i32>} : memref<128x128xf32, #tpu.memory_space<vmem>>, vector<1x16xf32>,
        %get3A_296 = arith.index_cast %add3A_213 : i32 to index
        %get3A_297 = arith.constant 112 : index
        %get3A_298 = tpu.vector_load %arg6[%get3A_296, %get3A_297] {strides = array<i32>} : memref<128x128xf32, #tpu.memory_space<vmem>>, vector<1x16xf32>,
        %get3A_299 = vector.shape_cast %get3A_298 : vector<1x16xf32> to vector<16xf32>
        %mul3A_300 = arith.constant 11.3137083 : f32
        %mul3A_301 = vector.broadcast %mul3A_300 : f32 to vector<16xf32>
        %mul3A_302 = arith.mulf %get3A_299, %mul3A_301 : vector<16xf32>
        %swap3A_303 = arith.index_cast %add3A_213 : i32 to index
        %swap3A_304 = arith.constant 112 : index
        %swap3A_305 = tpu.vector_load %arg6[%swap3A_303, %swap3A_304] {strides = array<i32>} : memref<128x128xf32, #tpu.memory_space<vmem>>, vector<1x16xf32>,
        %swap3A_306 = vector.shape_cast %swap3A_305 : vector<1x16xf32> to vector<16xf32>
        %swap3A_307 = vector.shape_cast %mul3A_302 : vector<16xf32> to vector<1x16xf32>
        tpu.vector_store %arg6[%swap3A_303, %swap3A_304], %swap3A_307 {strides = array<i32>} : memref<128x128xf32, #tpu.memory_space<vmem>>, vector<1x16xf32>,
        %scan3A_308 = arith.constant 1 : i32
        %scan3A_309 = arith.addi %scan3A_209, %scan3A_308 : i32
        %mul3A_310 = arith.constant 1 : i32
        %mul3A_311 = arith.muli %scan3A_309, %mul3A_310 : i32
        %add3A_312 = arith.constant 0 : i32
        %add3A_313 = arith.addi %add3A_312, %mul3A_311 : i32
        %get3A_314 = arith.index_cast %add3A_313 : i32 to index
        %get3A_315 = arith.constant 0 : index
        %get3A_316 = tpu.vector_load %arg6[%get3A_314, %get3A_315] {strides = array<i32>} : memref<128x128xf32, #tpu.memory_space<vmem>>, vector<1x16xf32>,
        %get3A_317 = vector.shape_cast %get3A_316 : vector<1x16xf32> to vector<16xf32>
        %mul3A_318 = arith.constant 11.3137083 : f32
        %mul3A_319 = vector.broadcast %mul3A_318 : f32 to vector<16xf32>
        %mul3A_320 = arith.mulf %get3A_317, %mul3A_319 : vector<16xf32>
        %swap3A_321 = arith.index_cast %add3A_313 : i32 to index
        %swap3A_322 = arith.constant 0 : index
        %swap3A_323 = tpu.vector_load %arg6[%swap3A_321, %swap3A_322] {strides = array<i32>} : memref<128x128xf32, #tpu.memory_space<vmem>>, vector<1x16xf32>,
        %swap3A_324 = vector.shape_cast %swap3A_323 : vector<1x16xf32> to vector<16xf32>
        %swap3A_325 = vector.shape_cast %mul3A_320 : vector<16xf32> to vector<1x16xf32>
        tpu.vector_store %arg6[%swap3A_321, %swap3A_322], %swap3A_325 {strides = array<i32>} : memref<128x128xf32, #tpu.memory_space<vmem>>, vector<1x16xf32>,
        %get3A_326 = arith.index_cast %add3A_313 : i32 to index
        %get3A_327 = arith.constant 16 : index
        %get3A_328 = tpu.vector_load %arg6[%get3A_326, %get3A_327] {strides = array<i32>} : memref<128x128xf32, #tpu.memory_space<vmem>>, vector<1x16xf32>,
        %get3A_329 = vector.shape_cast %get3A_328 : vector<1x16xf32> to vector<16xf32>
        %mul3A_330 = arith.constant 11.3137083 : f32
        %mul3A_331 = vector.broadcast %mul3A_330 : f32 to vector<16xf32>
        %mul3A_332 = arith.mulf %get3A_329, %mul3A_331 : vector<16xf32>
        %swap3A_333 = arith.index_cast %add3A_313 : i32 to index
        %swap3A_334 = arith.constant 16 : index
        %swap3A_335 = tpu.vector_load %arg6[%swap3A_333, %swap3A_334] {strides = array<i32>} : memref<128x128xf32, #tpu.memory_space<vmem>>, vector<1x16xf32>,
        %swap3A_336 = vector.shape_cast %swap3A_335 : vector<1x16xf32> to vector<16xf32>
        %swap3A_337 = vector.shape_cast %mul3A_332 : vector<16xf32> to vector<1x16xf32>
        tpu.vector_store %arg6[%swap3A_333, %swap3A_334], %swap3A_337 {strides = array<i32>} : memref<128x128xf32, #tpu.memory_space<vmem>>, vector<1x16xf32>,
        %get3A_338 = arith.index_cast %add3A_313 : i32 to index
        %get3A_339 = arith.constant 32 : index
        %get3A_340 = tpu.vector_load %arg6[%get3A_338, %get3A_339] {strides = array<i32>} : memref<128x128xf32, #tpu.memory_space<vmem>>, vector<1x16xf32>,
        %get3A_341 = vector.shape_cast %get3A_340 : vector<1x16xf32> to vector<16xf32>
        %mul3A_342 = arith.constant 11.3137083 : f32
        %mul3A_343 = vector.broadcast %mul3A_342 : f32 to vector<16xf32>
        %mul3A_344 = arith.mulf %get3A_341, %mul3A_343 : vector<16xf32>
        %swap3A_345 = arith.index_cast %add3A_313 : i32 to index
        %swap3A_346 = arith.constant 32 : index
        %swap3A_347 = tpu.vector_load %arg6[%swap3A_345, %swap3A_346] {strides = array<i32>} : memref<128x128xf32, #tpu.memory_space<vmem>>, vector<1x16xf32>,
        %swap3A_348 = vector.shape_cast %swap3A_347 : vector<1x16xf32> to vector<16xf32>
        %swap3A_349 = vector.shape_cast %mul3A_344 : vector<16xf32> to vector<1x16xf32>
        tpu.vector_store %arg6[%swap3A_345, %swap3A_346], %swap3A_349 {strides = array<i32>} : memref<128x128xf32, #tpu.memory_space<vmem>>, vector<1x16xf32>,
        %get3A_350 = arith.index_cast %add3A_313 : i32 to index
        %get3A_351 = arith.constant 48 : index
        %get3A_352 = tpu.vector_load %arg6[%get3A_350, %get3A_351] {strides = array<i32>} : memref<128x128xf32, #tpu.memory_space<vmem>>, vector<1x16xf32>,
        %get3A_353 = vector.shape_cast %get3A_352 : vector<1x16xf32> to vector<16xf32>
        %mul3A_354 = arith.constant 11.3137083 : f32
        %mul3A_355 = vector.broadcast %mul3A_354 : f32 to vector<16xf32>
        %mul3A_356 = arith.mulf %get3A_353, %mul3A_355 : vector<16xf32>
        %swap3A_357 = arith.index_cast %add3A_313 : i32 to index
        %swap3A_358 = arith.constant 48 : index
        %swap3A_359 = tpu.vector_load %arg6[%swap3A_357, %swap3A_358] {strides = array<i32>} : memref<128x128xf32, #tpu.memory_space<vmem>>, vector<1x16xf32>,
        %swap3A_360 = vector.shape_cast %swap3A_359 : vector<1x16xf32> to vector<16xf32>
        %swap3A_361 = vector.shape_cast %mul3A_356 : vector<16xf32> to vector<1x16xf32>
        tpu.vector_store %arg6[%swap3A_357, %swap3A_358], %swap3A_361 {strides = array<i32>} : memref<128x128xf32, #tpu.memory_space<vmem>>, vector<1x16xf32>,
        %get3A_362 = arith.index_cast %add3A_313 : i32 to index
        %get3A_363 = arith.constant 64 : index
        %get3A_364 = tpu.vector_load %arg6[%get3A_362, %get3A_363] {strides = array<i32>} : memref<128x128xf32, #tpu.memory_space<vmem>>, vector<1x16xf32>,
        %get3A_365 = vector.shape_cast %get3A_364 : vector<1x16xf32> to vector<16xf32>
        %mul3A_366 = arith.constant 11.3137083 : f32
        %mul3A_367 = vector.broadcast %mul3A_366 : f32 to vector<16xf32>
        %mul3A_368 = arith.mulf %get3A_365, %mul3A_367 : vector<16xf32>
        %swap3A_369 = arith.index_cast %add3A_313 : i32 to index
        %swap3A_370 = arith.constant 64 : index
        %swap3A_371 = tpu.vector_load %arg6[%swap3A_369, %swap3A_370] {strides = array<i32>} : memref<128x128xf32, #tpu.memory_space<vmem>>, vector<1x16xf32>,
        %swap3A_372 = vector.shape_cast %swap3A_371 : vector<1x16xf32> to vector<16xf32>
        %swap3A_373 = vector.shape_cast %mul3A_368 : vector<16xf32> to vector<1x16xf32>
        tpu.vector_store %arg6[%swap3A_369, %swap3A_370], %swap3A_373 {strides = array<i32>} : memref<128x128xf32, #tpu.memory_space<vmem>>, vector<1x16xf32>,
        %get3A_374 = arith.index_cast %add3A_313 : i32 to index
        %get3A_375 = arith.constant 80 : index
        %get3A_376 = tpu.vector_load %arg6[%get3A_374, %get3A_375] {strides = array<i32>} : memref<128x128xf32, #tpu.memory_space<vmem>>, vector<1x16xf32>,
        %get3A_377 = vector.shape_cast %get3A_376 : vector<1x16xf32> to vector<16xf32>
        %mul3A_378 = arith.constant 11.3137083 : f32
        %mul3A_379 = vector.broadcast %mul3A_378 : f32 to vector<16xf32>
        %mul3A_380 = arith.mulf %get3A_377, %mul3A_379 : vector<16xf32>
        %swap3A_381 = arith.index_cast %add3A_313 : i32 to index
        %swap3A_382 = arith.constant 80 : index
        %swap3A_383 = tpu.vector_load %arg6[%swap3A_381, %swap3A_382] {strides = array<i32>} : memref<128x128xf32, #tpu.memory_space<vmem>>, vector<1x16xf32>,
        %swap3A_384 = vector.shape_cast %swap3A_383 : vector<1x16xf32> to vector<16xf32>
        %swap3A_385 = vector.shape_cast %mul3A_380 : vector<16xf32> to vector<1x16xf32>
        tpu.vector_store %arg6[%swap3A_381, %swap3A_382], %swap3A_385 {strides = array<i32>} : memref<128x128xf32, #tpu.memory_space<vmem>>, vector<1x16xf32>,
        %get3A_386 = arith.index_cast %add3A_313 : i32 to index
        %get3A_387 = arith.constant 96 : index
        %get3A_388 = tpu.vector_load %arg6[%get3A_386, %get3A_387] {strides = array<i32>} : memref<128x128xf32, #tpu.memory_space<vmem>>, vector<1x16xf32>,
        %get3A_389 = vector.shape_cast %get3A_388 : vector<1x16xf32> to vector<16xf32>
        %mul3A_390 = arith.constant 11.3137083 : f32
        %mul3A_391 = vector.broadcast %mul3A_390 : f32 to vector<16xf32>
        %mul3A_392 = arith.mulf %get3A_389, %mul3A_391 : vector<16xf32>
        %swap3A_393 = arith.index_cast %add3A_313 : i32 to index
        %swap3A_394 = arith.constant 96 : index
        %swap3A_395 = tpu.vector_load %arg6[%swap3A_393, %swap3A_394] {strides = array<i32>} : memref<128x128xf32, #tpu.memory_space<vmem>>, vector<1x16xf32>,
        %swap3A_396 = vector.shape_cast %swap3A_395 : vector<1x16xf32> to vector<16xf32>
        %swap3A_397 = vector.shape_cast %mul3A_392 : vector<16xf32> to vector<1x16xf32>
        tpu.vector_store %arg6[%swap3A_393, %swap3A_394], %swap3A_397 {strides = array<i32>} : memref<128x128xf32, #tpu.memory_space<vmem>>, vector<1x16xf32>,
        %get3A_398 = arith.index_cast %add3A_313 : i32 to index
        %get3A_399 = arith.constant 112 : index
        %get3A_400 = tpu.vector_load %arg6[%get3A_398, %get3A_399] {strides = array<i32>} : memref<128x128xf32, #tpu.memory_space<vmem>>, vector<1x16xf32>,
        %get3A_401 = vector.shape_cast %get3A_400 : vector<1x16xf32> to vector<16xf32>
        %mul3A_402 = arith.constant 11.3137083 : f32
        %mul3A_403 = vector.broadcast %mul3A_402 : f32 to vector<16xf32>
        %mul3A_404 = arith.mulf %get3A_401, %mul3A_403 : vector<16xf32>
        %swap3A_405 = arith.index_cast %add3A_313 : i32 to index
        %swap3A_406 = arith.constant 112 : index
        %swap3A_407 = tpu.vector_load %arg6[%swap3A_405, %swap3A_406] {strides = array<i32>} : memref<128x128xf32, #tpu.memory_space<vmem>>, vector<1x16xf32>,
        %swap3A_408 = vector.shape_cast %swap3A_407 : vector<1x16xf32> to vector<16xf32>
        %swap3A_409 = vector.shape_cast %mul3A_404 : vector<16xf32> to vector<1x16xf32>
        tpu.vector_store %arg6[%swap3A_405, %swap3A_406], %swap3A_409 {strides = array<i32>} : memref<128x128xf32, #tpu.memory_space<vmem>>, vector<1x16xf32>,
      }
      %scan3A_81 = arith.constant 128 : i32
      %mul3A_82 = arith.constant 128 : i32
      %mul3A_83 = arith.muli %add3A_70, %mul3A_82 : i32
      %add3A_84 = arith.addi %mul3A_4, %mul3A_83 : i32
      %dma_start3A_85 = arith.constant 0 : i32
      %dma_start3A_86 = tpu.memref_slice %arg4[%add3A_84, %dma_start3A_85] : memref<819200x128xf32, #tpu.memory_space<hbm>> -> memref<128x128xf32, #tpu.memory_space<hbm>>
      %dma_start3A_87 = arith.constant 0 : i32
      %dma_start3A_88 = tpu.memref_slice %arg4[%add3A_84, %dma_start3A_87] : memref<819200x128xf32, #tpu.memory_space<hbm>> -> memref<128x128xf32, #tpu.memory_space<hbm>>
      tpu.enqueue_dma source(%arg6 : memref<128x128xf32, #tpu.memory_space<vmem>>) target(%dma_start3A_88 : memref<128x128xf32, #tpu.memory_space<hbm>>) target_semaphore(%arg16 : memref<!tpu.dma_semaphore, #tpu.memory_space<semaphore_mem>>)
      %add3A_89 = arith.constant 1 : i32
      %add3A_90 = arith.addi %add3A_66, %add3A_89 : i32
      %lt3A = arith.constant 40 : i32
      %lt3A_91 = arith.cmpi slt, %add3A_90, %lt3A : i32
      %convert_element_type3A = arith.extui %lt3A_91 : i1 to i32
      %cond3A = arith.constant 0 : i32
      %cond3A_92 = arith.cmpi ne, %convert_element_type3A, %cond3A : i32
      scf.if %cond3A_92 {
        %dma_wait3A_209 = arith.constant 0 : i32
        %dma_wait3A_210 = tpu.memref_slice %arg4[%mul3A_4, %dma_wait3A_209] : memref<819200x128xf32, #tpu.memory_space<hbm>> -> memref<128x128xf32, #tpu.memory_space<hbm>>
        %dma_wait3A_211 = arith.constant 0 : i32
        %dma_wait3A_212 = tpu.memref_slice %arg4[%mul3A_4, %dma_wait3A_211] : memref<819200x128xf32, #tpu.memory_space<hbm>> -> memref<128x128xf32, #tpu.memory_space<hbm>>
        tpu.wait_dma2 semaphore(%arg16 : memref<!tpu.dma_semaphore, #tpu.memory_space<semaphore_mem>>) src(%arg6 : memref<128x128xf32, #tpu.memory_space<vmem>>) dst(%dma_wait3A_212 : memref<128x128xf32, #tpu.memory_space<hbm>>)
        %add3A_213 = arith.constant 5 : i32
        %add3A_214 = arith.addi %add3A_70, %add3A_213 : i32
        %dma_start3A_215 = arith.constant 0 : i32
        %dma_start3A_216 = tpu.memref_slice %arg5[%add3A_214, %dma_start3A_215] : memref<200x128xi32, #tpu.memory_space<vmem>> -> memref<1x128xi32, #tpu.memory_space<vmem>>
        %dma_start3A_217 = tpu.memref_squeeze %dma_start3A_216 : memref<1x128xi32, #tpu.memory_space<vmem>> -> memref<128xi32, #tpu.memory_space<vmem>>
        %dma_start3A_218 = arith.constant 0 : i32
        %dma_start3A_219 = arith.constant 0 : i32
        %dma_start3A_220 = tpu.memref_slice %arg3[%dma_start3A_218, %dma_start3A_219] : memref<100000x128xf32, #tpu.memory_space<hbm>> -> memref<100000x128xf32, #tpu.memory_space<hbm>>
        tpu.enqueue_indirect_dma source(%dma_start3A_220 : memref<100000x128xf32, #tpu.memory_space<hbm>>) target(%arg6 : memref<128x128xf32, #tpu.memory_space<vmem>>) offsets(%dma_start3A_217 : memref<128xi32, #tpu.memory_space<vmem>>) semaphore(%arg11 : memref<!tpu.dma_semaphore, #tpu.memory_space<semaphore_mem>>)
      } else {
      }
      %mul3A_93 = arith.constant 5 : i32
      %mul3A_94 = arith.muli %add3A_66, %mul3A_93 : i32
      %add3A_95 = arith.constant 1 : i32
      %add3A_96 = arith.addi %mul3A_94, %add3A_95 : i32
      %dma_wait3A_97 = arith.constant 0 : i32
      %dma_wait3A_98 = tpu.memref_slice %arg5[%add3A_96, %dma_wait3A_97] : memref<200x128xi32, #tpu.memory_space<vmem>> -> memref<1x128xi32, #tpu.memory_space<vmem>>
      %dma_wait3A_99 = tpu.memref_squeeze %dma_wait3A_98 : memref<1x128xi32, #tpu.memory_space<vmem>> -> memref<128xi32, #tpu.memory_space<vmem>>
      %dma_wait3A_100 = arith.constant 0 : i32
      %dma_wait3A_101 = arith.constant 0 : i32
      %dma_wait3A_102 = tpu.memref_slice %arg3[%dma_wait3A_100, %dma_wait3A_101] : memref<100000x128xf32, #tpu.memory_space<hbm>> -> memref<100000x128xf32, #tpu.memory_space<hbm>>
      tpu.wait_indirect_dma semaphore(%arg12 : memref<!tpu.dma_semaphore, #tpu.memory_space<semaphore_mem>>) src(%dma_wait3A_102 : memref<100000x128xf32, #tpu.memory_space<hbm>>) dst(%arg7 : memref<128x128xf32, #tpu.memory_space<vmem>>)
      %scan3A_103 = arith.constant 0 : i32
      %scan3A_104 = arith.constant 128 : i32
      %scan3A_105 = arith.addi %scan3A_103, %scan3A_104 : i32
      %scan3A_106 = arith.constant 2 : i32
      scf.for %scan3A_209 = %scan3A_103 to %scan3A_105 step %scan3A_106  : i32 {
        %mul3A_210 = arith.constant 1 : i32
        %mul3A_211 = arith.muli %scan3A_209, %mul3A_210 : i32
        %add3A_212 = arith.constant 0 : i32
        %add3A_213 = arith.addi %add3A_212, %mul3A_211 : i32
        %get3A = arith.index_cast %add3A_213 : i32 to index
        %get3A_214 = arith.constant 0 : index
        %get3A_215 = tpu.vector_load %arg7[%get3A, %get3A_214] {strides = array<i32>} : memref<128x128xf32, #tpu.memory_space<vmem>>, vector<1x16xf32>,
        %get3A_216 = vector.shape_cast %get3A_215 : vector<1x16xf32> to vector<16xf32>
        %mul3A_217 = arith.constant 11.3137083 : f32
        %mul3A_218 = vector.broadcast %mul3A_217 : f32 to vector<16xf32>
        %mul3A_219 = arith.mulf %get3A_216, %mul3A_218 : vector<16xf32>
        %swap3A = arith.index_cast %add3A_213 : i32 to index
        %swap3A_220 = arith.constant 0 : index
        %swap3A_221 = tpu.vector_load %arg7[%swap3A, %swap3A_220] {strides = array<i32>} : memref<128x128xf32, #tpu.memory_space<vmem>>, vector<1x16xf32>,
        %swap3A_222 = vector.shape_cast %swap3A_221 : vector<1x16xf32> to vector<16xf32>
        %swap3A_223 = vector.shape_cast %mul3A_219 : vector<16xf32> to vector<1x16xf32>
        tpu.vector_store %arg7[%swap3A, %swap3A_220], %swap3A_223 {strides = array<i32>} : memref<128x128xf32, #tpu.memory_space<vmem>>, vector<1x16xf32>,
        %get3A_224 = arith.index_cast %add3A_213 : i32 to index
        %get3A_225 = arith.constant 16 : index
        %get3A_226 = tpu.vector_load %arg7[%get3A_224, %get3A_225] {strides = array<i32>} : memref<128x128xf32, #tpu.memory_space<vmem>>, vector<1x16xf32>,
        %get3A_227 = vector.shape_cast %get3A_226 : vector<1x16xf32> to vector<16xf32>
        %mul3A_228 = arith.constant 11.3137083 : f32
        %mul3A_229 = vector.broadcast %mul3A_228 : f32 to vector<16xf32>
        %mul3A_230 = arith.mulf %get3A_227, %mul3A_229 : vector<16xf32>
        %swap3A_231 = arith.index_cast %add3A_213 : i32 to index
        %swap3A_232 = arith.constant 16 : index
        %swap3A_233 = tpu.vector_load %arg7[%swap3A_231, %swap3A_232] {strides = array<i32>} : memref<128x128xf32, #tpu.memory_space<vmem>>, vector<1x16xf32>,
        %swap3A_234 = vector.shape_cast %swap3A_233 : vector<1x16xf32> to vector<16xf32>
        %swap3A_235 = vector.shape_cast %mul3A_230 : vector<16xf32> to vector<1x16xf32>
        tpu.vector_store %arg7[%swap3A_231, %swap3A_232], %swap3A_235 {strides = array<i32>} : memref<128x128xf32, #tpu.memory_space<vmem>>, vector<1x16xf32>,
        %get3A_236 = arith.index_cast %add3A_213 : i32 to index
        %get3A_237 = arith.constant 32 : index
        %get3A_238 = tpu.vector_load %arg7[%get3A_236, %get3A_237] {strides = array<i32>} : memref<128x128xf32, #tpu.memory_space<vmem>>, vector<1x16xf32>,
        %get3A_239 = vector.shape_cast %get3A_238 : vector<1x16xf32> to vector<16xf32>
        %mul3A_240 = arith.constant 11.3137083 : f32
        %mul3A_241 = vector.broadcast %mul3A_240 : f32 to vector<16xf32>
        %mul3A_242 = arith.mulf %get3A_239, %mul3A_241 : vector<16xf32>
        %swap3A_243 = arith.index_cast %add3A_213 : i32 to index
        %swap3A_244 = arith.constant 32 : index
        %swap3A_245 = tpu.vector_load %arg7[%swap3A_243, %swap3A_244] {strides = array<i32>} : memref<128x128xf32, #tpu.memory_space<vmem>>, vector<1x16xf32>,
        %swap3A_246 = vector.shape_cast %swap3A_245 : vector<1x16xf32> to vector<16xf32>
        %swap3A_247 = vector.shape_cast %mul3A_242 : vector<16xf32> to vector<1x16xf32>
        tpu.vector_store %arg7[%swap3A_243, %swap3A_244], %swap3A_247 {strides = array<i32>} : memref<128x128xf32, #tpu.memory_space<vmem>>, vector<1x16xf32>,
        %get3A_248 = arith.index_cast %add3A_213 : i32 to index
        %get3A_249 = arith.constant 48 : index
        %get3A_250 = tpu.vector_load %arg7[%get3A_248, %get3A_249] {strides = array<i32>} : memref<128x128xf32, #tpu.memory_space<vmem>>, vector<1x16xf32>,
        %get3A_251 = vector.shape_cast %get3A_250 : vector<1x16xf32> to vector<16xf32>
        %mul3A_252 = arith.constant 11.3137083 : f32
        %mul3A_253 = vector.broadcast %mul3A_252 : f32 to vector<16xf32>
        %mul3A_254 = arith.mulf %get3A_251, %mul3A_253 : vector<16xf32>
        %swap3A_255 = arith.index_cast %add3A_213 : i32 to index
        %swap3A_256 = arith.constant 48 : index
        %swap3A_257 = tpu.vector_load %arg7[%swap3A_255, %swap3A_256] {strides = array<i32>} : memref<128x128xf32, #tpu.memory_space<vmem>>, vector<1x16xf32>,
        %swap3A_258 = vector.shape_cast %swap3A_257 : vector<1x16xf32> to vector<16xf32>
        %swap3A_259 = vector.shape_cast %mul3A_254 : vector<16xf32> to vector<1x16xf32>
        tpu.vector_store %arg7[%swap3A_255, %swap3A_256], %swap3A_259 {strides = array<i32>} : memref<128x128xf32, #tpu.memory_space<vmem>>, vector<1x16xf32>,
        %get3A_260 = arith.index_cast %add3A_213 : i32 to index
        %get3A_261 = arith.constant 64 : index
        %get3A_262 = tpu.vector_load %arg7[%get3A_260, %get3A_261] {strides = array<i32>} : memref<128x128xf32, #tpu.memory_space<vmem>>, vector<1x16xf32>,
        %get3A_263 = vector.shape_cast %get3A_262 : vector<1x16xf32> to vector<16xf32>
        %mul3A_264 = arith.constant 11.3137083 : f32
        %mul3A_265 = vector.broadcast %mul3A_264 : f32 to vector<16xf32>
        %mul3A_266 = arith.mulf %get3A_263, %mul3A_265 : vector<16xf32>
        %swap3A_267 = arith.index_cast %add3A_213 : i32 to index
        %swap3A_268 = arith.constant 64 : index
        %swap3A_269 = tpu.vector_load %arg7[%swap3A_267, %swap3A_268] {strides = array<i32>} : memref<128x128xf32, #tpu.memory_space<vmem>>, vector<1x16xf32>,
        %swap3A_270 = vector.shape_cast %swap3A_269 : vector<1x16xf32> to vector<16xf32>
        %swap3A_271 = vector.shape_cast %mul3A_266 : vector<16xf32> to vector<1x16xf32>
        tpu.vector_store %arg7[%swap3A_267, %swap3A_268], %swap3A_271 {strides = array<i32>} : memref<128x128xf32, #tpu.memory_space<vmem>>, vector<1x16xf32>,
        %get3A_272 = arith.index_cast %add3A_213 : i32 to index
        %get3A_273 = arith.constant 80 : index
        %get3A_274 = tpu.vector_load %arg7[%get3A_272, %get3A_273] {strides = array<i32>} : memref<128x128xf32, #tpu.memory_space<vmem>>, vector<1x16xf32>,
        %get3A_275 = vector.shape_cast %get3A_274 : vector<1x16xf32> to vector<16xf32>
        %mul3A_276 = arith.constant 11.3137083 : f32
        %mul3A_277 = vector.broadcast %mul3A_276 : f32 to vector<16xf32>
        %mul3A_278 = arith.mulf %get3A_275, %mul3A_277 : vector<16xf32>
        %swap3A_279 = arith.index_cast %add3A_213 : i32 to index
        %swap3A_280 = arith.constant 80 : index
        %swap3A_281 = tpu.vector_load %arg7[%swap3A_279, %swap3A_280] {strides = array<i32>} : memref<128x128xf32, #tpu.memory_space<vmem>>, vector<1x16xf32>,
        %swap3A_282 = vector.shape_cast %swap3A_281 : vector<1x16xf32> to vector<16xf32>
        %swap3A_283 = vector.shape_cast %mul3A_278 : vector<16xf32> to vector<1x16xf32>
        tpu.vector_store %arg7[%swap3A_279, %swap3A_280], %swap3A_283 {strides = array<i32>} : memref<128x128xf32, #tpu.memory_space<vmem>>, vector<1x16xf32>,
        %get3A_284 = arith.index_cast %add3A_213 : i32 to index
        %get3A_285 = arith.constant 96 : index
        %get3A_286 = tpu.vector_load %arg7[%get3A_284, %get3A_285] {strides = array<i32>} : memref<128x128xf32, #tpu.memory_space<vmem>>, vector<1x16xf32>,
        %get3A_287 = vector.shape_cast %get3A_286 : vector<1x16xf32> to vector<16xf32>
        %mul3A_288 = arith.constant 11.3137083 : f32
        %mul3A_289 = vector.broadcast %mul3A_288 : f32 to vector<16xf32>
        %mul3A_290 = arith.mulf %get3A_287, %mul3A_289 : vector<16xf32>
        %swap3A_291 = arith.index_cast %add3A_213 : i32 to index
        %swap3A_292 = arith.constant 96 : index
        %swap3A_293 = tpu.vector_load %arg7[%swap3A_291, %swap3A_292] {strides = array<i32>} : memref<128x128xf32, #tpu.memory_space<vmem>>, vector<1x16xf32>,
        %swap3A_294 = vector.shape_cast %swap3A_293 : vector<1x16xf32> to vector<16xf32>
        %swap3A_295 = vector.shape_cast %mul3A_290 : vector<16xf32> to vector<1x16xf32>
        tpu.vector_store %arg7[%swap3A_291, %swap3A_292], %swap3A_295 {strides = array<i32>} : memref<128x128xf32, #tpu.memory_space<vmem>>, vector<1x16xf32>,
        %get3A_296 = arith.index_cast %add3A_213 : i32 to index
        %get3A_297 = arith.constant 112 : index
        %get3A_298 = tpu.vector_load %arg7[%get3A_296, %get3A_297] {strides = array<i32>} : memref<128x128xf32, #tpu.memory_space<vmem>>, vector<1x16xf32>,
        %get3A_299 = vector.shape_cast %get3A_298 : vector<1x16xf32> to vector<16xf32>
        %mul3A_300 = arith.constant 11.3137083 : f32
        %mul3A_301 = vector.broadcast %mul3A_300 : f32 to vector<16xf32>
        %mul3A_302 = arith.mulf %get3A_299, %mul3A_301 : vector<16xf32>
        %swap3A_303 = arith.index_cast %add3A_213 : i32 to index
        %swap3A_304 = arith.constant 112 : index
        %swap3A_305 = tpu.vector_load %arg7[%swap3A_303, %swap3A_304] {strides = array<i32>} : memref<128x128xf32, #tpu.memory_space<vmem>>, vector<1x16xf32>,
        %swap3A_306 = vector.shape_cast %swap3A_305 : vector<1x16xf32> to vector<16xf32>
        %swap3A_307 = vector.shape_cast %mul3A_302 : vector<16xf32> to vector<1x16xf32>
        tpu.vector_store %arg7[%swap3A_303, %swap3A_304], %swap3A_307 {strides = array<i32>} : memref<128x128xf32, #tpu.memory_space<vmem>>, vector<1x16xf32>,
        %scan3A_308 = arith.constant 1 : i32
        %scan3A_309 = arith.addi %scan3A_209, %scan3A_308 : i32
        %mul3A_310 = arith.constant 1 : i32
        %mul3A_311 = arith.muli %scan3A_309, %mul3A_310 : i32
        %add3A_312 = arith.constant 0 : i32
        %add3A_313 = arith.addi %add3A_312, %mul3A_311 : i32
        %get3A_314 = arith.index_cast %add3A_313 : i32 to index
        %get3A_315 = arith.constant 0 : index
        %get3A_316 = tpu.vector_load %arg7[%get3A_314, %get3A_315] {strides = array<i32>} : memref<128x128xf32, #tpu.memory_space<vmem>>, vector<1x16xf32>,
        %get3A_317 = vector.shape_cast %get3A_316 : vector<1x16xf32> to vector<16xf32>
        %mul3A_318 = arith.constant 11.3137083 : f32
        %mul3A_319 = vector.broadcast %mul3A_318 : f32 to vector<16xf32>
        %mul3A_320 = arith.mulf %get3A_317, %mul3A_319 : vector<16xf32>
        %swap3A_321 = arith.index_cast %add3A_313 : i32 to index
        %swap3A_322 = arith.constant 0 : index
        %swap3A_323 = tpu.vector_load %arg7[%swap3A_321, %swap3A_322] {strides = array<i32>} : memref<128x128xf32, #tpu.memory_space<vmem>>, vector<1x16xf32>,
        %swap3A_324 = vector.shape_cast %swap3A_323 : vector<1x16xf32> to vector<16xf32>
        %swap3A_325 = vector.shape_cast %mul3A_320 : vector<16xf32> to vector<1x16xf32>
        tpu.vector_store %arg7[%swap3A_321, %swap3A_322], %swap3A_325 {strides = array<i32>} : memref<128x128xf32, #tpu.memory_space<vmem>>, vector<1x16xf32>,
        %get3A_326 = arith.index_cast %add3A_313 : i32 to index
        %get3A_327 = arith.constant 16 : index
        %get3A_328 = tpu.vector_load %arg7[%get3A_326, %get3A_327] {strides = array<i32>} : memref<128x128xf32, #tpu.memory_space<vmem>>, vector<1x16xf32>,
        %get3A_329 = vector.shape_cast %get3A_328 : vector<1x16xf32> to vector<16xf32>
        %mul3A_330 = arith.constant 11.3137083 : f32
        %mul3A_331 = vector.broadcast %mul3A_330 : f32 to vector<16xf32>
        %mul3A_332 = arith.mulf %get3A_329, %mul3A_331 : vector<16xf32>
        %swap3A_333 = arith.index_cast %add3A_313 : i32 to index
        %swap3A_334 = arith.constant 16 : index
        %swap3A_335 = tpu.vector_load %arg7[%swap3A_333, %swap3A_334] {strides = array<i32>} : memref<128x128xf32, #tpu.memory_space<vmem>>, vector<1x16xf32>,
        %swap3A_336 = vector.shape_cast %swap3A_335 : vector<1x16xf32> to vector<16xf32>
        %swap3A_337 = vector.shape_cast %mul3A_332 : vector<16xf32> to vector<1x16xf32>
        tpu.vector_store %arg7[%swap3A_333, %swap3A_334], %swap3A_337 {strides = array<i32>} : memref<128x128xf32, #tpu.memory_space<vmem>>, vector<1x16xf32>,
        %get3A_338 = arith.index_cast %add3A_313 : i32 to index
        %get3A_339 = arith.constant 32 : index
        %get3A_340 = tpu.vector_load %arg7[%get3A_338, %get3A_339] {strides = array<i32>} : memref<128x128xf32, #tpu.memory_space<vmem>>, vector<1x16xf32>,
        %get3A_341 = vector.shape_cast %get3A_340 : vector<1x16xf32> to vector<16xf32>
        %mul3A_342 = arith.constant 11.3137083 : f32
        %mul3A_343 = vector.broadcast %mul3A_342 : f32 to vector<16xf32>
        %mul3A_344 = arith.mulf %get3A_341, %mul3A_343 : vector<16xf32>
        %swap3A_345 = arith.index_cast %add3A_313 : i32 to index
        %swap3A_346 = arith.constant 32 : index
        %swap3A_347 = tpu.vector_load %arg7[%swap3A_345, %swap3A_346] {strides = array<i32>} : memref<128x128xf32, #tpu.memory_space<vmem>>, vector<1x16xf32>,
        %swap3A_348 = vector.shape_cast %swap3A_347 : vector<1x16xf32> to vector<16xf32>
        %swap3A_349 = vector.shape_cast %mul3A_344 : vector<16xf32> to vector<1x16xf32>
        tpu.vector_store %arg7[%swap3A_345, %swap3A_346], %swap3A_349 {strides = array<i32>} : memref<128x128xf32, #tpu.memory_space<vmem>>, vector<1x16xf32>,
        %get3A_350 = arith.index_cast %add3A_313 : i32 to index
        %get3A_351 = arith.constant 48 : index
        %get3A_352 = tpu.vector_load %arg7[%get3A_350, %get3A_351] {strides = array<i32>} : memref<128x128xf32, #tpu.memory_space<vmem>>, vector<1x16xf32>,
        %get3A_353 = vector.shape_cast %get3A_352 : vector<1x16xf32> to vector<16xf32>
        %mul3A_354 = arith.constant 11.3137083 : f32
        %mul3A_355 = vector.broadcast %mul3A_354 : f32 to vector<16xf32>
        %mul3A_356 = arith.mulf %get3A_353, %mul3A_355 : vector<16xf32>
        %swap3A_357 = arith.index_cast %add3A_313 : i32 to index
        %swap3A_358 = arith.constant 48 : index
        %swap3A_359 = tpu.vector_load %arg7[%swap3A_357, %swap3A_358] {strides = array<i32>} : memref<128x128xf32, #tpu.memory_space<vmem>>, vector<1x16xf32>,
        %swap3A_360 = vector.shape_cast %swap3A_359 : vector<1x16xf32> to vector<16xf32>
        %swap3A_361 = vector.shape_cast %mul3A_356 : vector<16xf32> to vector<1x16xf32>
        tpu.vector_store %arg7[%swap3A_357, %swap3A_358], %swap3A_361 {strides = array<i32>} : memref<128x128xf32, #tpu.memory_space<vmem>>, vector<1x16xf32>,
        %get3A_362 = arith.index_cast %add3A_313 : i32 to index
        %get3A_363 = arith.constant 64 : index
        %get3A_364 = tpu.vector_load %arg7[%get3A_362, %get3A_363] {strides = array<i32>} : memref<128x128xf32, #tpu.memory_space<vmem>>, vector<1x16xf32>,
        %get3A_365 = vector.shape_cast %get3A_364 : vector<1x16xf32> to vector<16xf32>
        %mul3A_366 = arith.constant 11.3137083 : f32
        %mul3A_367 = vector.broadcast %mul3A_366 : f32 to vector<16xf32>
        %mul3A_368 = arith.mulf %get3A_365, %mul3A_367 : vector<16xf32>
        %swap3A_369 = arith.index_cast %add3A_313 : i32 to index
        %swap3A_370 = arith.constant 64 : index
        %swap3A_371 = tpu.vector_load %arg7[%swap3A_369, %swap3A_370] {strides = array<i32>} : memref<128x128xf32, #tpu.memory_space<vmem>>, vector<1x16xf32>,
        %swap3A_372 = vector.shape_cast %swap3A_371 : vector<1x16xf32> to vector<16xf32>
        %swap3A_373 = vector.shape_cast %mul3A_368 : vector<16xf32> to vector<1x16xf32>
        tpu.vector_store %arg7[%swap3A_369, %swap3A_370], %swap3A_373 {strides = array<i32>} : memref<128x128xf32, #tpu.memory_space<vmem>>, vector<1x16xf32>,
        %get3A_374 = arith.index_cast %add3A_313 : i32 to index
        %get3A_375 = arith.constant 80 : index
        %get3A_376 = tpu.vector_load %arg7[%get3A_374, %get3A_375] {strides = array<i32>} : memref<128x128xf32, #tpu.memory_space<vmem>>, vector<1x16xf32>,
        %get3A_377 = vector.shape_cast %get3A_376 : vector<1x16xf32> to vector<16xf32>
        %mul3A_378 = arith.constant 11.3137083 : f32
        %mul3A_379 = vector.broadcast %mul3A_378 : f32 to vector<16xf32>
        %mul3A_380 = arith.mulf %get3A_377, %mul3A_379 : vector<16xf32>
        %swap3A_381 = arith.index_cast %add3A_313 : i32 to index
        %swap3A_382 = arith.constant 80 : index
        %swap3A_383 = tpu.vector_load %arg7[%swap3A_381, %swap3A_382] {strides = array<i32>} : memref<128x128xf32, #tpu.memory_space<vmem>>, vector<1x16xf32>,
        %swap3A_384 = vector.shape_cast %swap3A_383 : vector<1x16xf32> to vector<16xf32>
        %swap3A_385 = vector.shape_cast %mul3A_380 : vector<16xf32> to vector<1x16xf32>
        tpu.vector_store %arg7[%swap3A_381, %swap3A_382], %swap3A_385 {strides = array<i32>} : memref<128x128xf32, #tpu.memory_space<vmem>>, vector<1x16xf32>,
        %get3A_386 = arith.index_cast %add3A_313 : i32 to index
        %get3A_387 = arith.constant 96 : index
        %get3A_388 = tpu.vector_load %arg7[%get3A_386, %get3A_387] {strides = array<i32>} : memref<128x128xf32, #tpu.memory_space<vmem>>, vector<1x16xf32>,
        %get3A_389 = vector.shape_cast %get3A_388 : vector<1x16xf32> to vector<16xf32>
        %mul3A_390 = arith.constant 11.3137083 : f32
        %mul3A_391 = vector.broadcast %mul3A_390 : f32 to vector<16xf32>
        %mul3A_392 = arith.mulf %get3A_389, %mul3A_391 : vector<16xf32>
        %swap3A_393 = arith.index_cast %add3A_313 : i32 to index
        %swap3A_394 = arith.constant 96 : index
        %swap3A_395 = tpu.vector_load %arg7[%swap3A_393, %swap3A_394] {strides = array<i32>} : memref<128x128xf32, #tpu.memory_space<vmem>>, vector<1x16xf32>,
        %swap3A_396 = vector.shape_cast %swap3A_395 : vector<1x16xf32> to vector<16xf32>
        %swap3A_397 = vector.shape_cast %mul3A_392 : vector<16xf32> to vector<1x16xf32>
        tpu.vector_store %arg7[%swap3A_393, %swap3A_394], %swap3A_397 {strides = array<i32>} : memref<128x128xf32, #tpu.memory_space<vmem>>, vector<1x16xf32>,
        %get3A_398 = arith.index_cast %add3A_313 : i32 to index
        %get3A_399 = arith.constant 112 : index
        %get3A_400 = tpu.vector_load %arg7[%get3A_398, %get3A_399] {strides = array<i32>} : memref<128x128xf32, #tpu.memory_space<vmem>>, vector<1x16xf32>,
        %get3A_401 = vector.shape_cast %get3A_400 : vector<1x16xf32> to vector<16xf32>
        %mul3A_402 = arith.constant 11.3137083 : f32
        %mul3A_403 = vector.broadcast %mul3A_402 : f32 to vector<16xf32>
        %mul3A_404 = arith.mulf %get3A_401, %mul3A_403 : vector<16xf32>
        %swap3A_405 = arith.index_cast %add3A_313 : i32 to index
        %swap3A_406 = arith.constant 112 : index
        %swap3A_407 = tpu.vector_load %arg7[%swap3A_405, %swap3A_406] {strides = array<i32>} : memref<128x128xf32, #tpu.memory_space<vmem>>, vector<1x16xf32>,
        %swap3A_408 = vector.shape_cast %swap3A_407 : vector<1x16xf32> to vector<16xf32>
        %swap3A_409 = vector.shape_cast %mul3A_404 : vector<16xf32> to vector<1x16xf32>
        tpu.vector_store %arg7[%swap3A_405, %swap3A_406], %swap3A_409 {strides = array<i32>} : memref<128x128xf32, #tpu.memory_space<vmem>>, vector<1x16xf32>,
      }
      %scan3A_107 = arith.constant 128 : i32
      %mul3A_108 = arith.constant 128 : i32
      %mul3A_109 = arith.muli %add3A_96, %mul3A_108 : i32
      %add3A_110 = arith.addi %mul3A_4, %mul3A_109 : i32
      %dma_start3A_111 = arith.constant 0 : i32
      %dma_start3A_112 = tpu.memref_slice %arg4[%add3A_110, %dma_start3A_111] : memref<819200x128xf32, #tpu.memory_space<hbm>> -> memref<128x128xf32, #tpu.memory_space<hbm>>
      %dma_start3A_113 = arith.constant 0 : i32
      %dma_start3A_114 = tpu.memref_slice %arg4[%add3A_110, %dma_start3A_113] : memref<819200x128xf32, #tpu.memory_space<hbm>> -> memref<128x128xf32, #tpu.memory_space<hbm>>
      tpu.enqueue_dma source(%arg7 : memref<128x128xf32, #tpu.memory_space<vmem>>) target(%dma_start3A_114 : memref<128x128xf32, #tpu.memory_space<hbm>>) target_semaphore(%arg17 : memref<!tpu.dma_semaphore, #tpu.memory_space<semaphore_mem>>)
      %add3A_115 = arith.constant 1 : i32
      %add3A_116 = arith.addi %add3A_66, %add3A_115 : i32
      %lt3A_117 = arith.constant 40 : i32
      %lt3A_118 = arith.cmpi slt, %add3A_116, %lt3A_117 : i32
      %convert_element_type3A_119 = arith.extui %lt3A_118 : i1 to i32
      %cond3A_120 = arith.constant 0 : i32
      %cond3A_121 = arith.cmpi ne, %convert_element_type3A_119, %cond3A_120 : i32
      scf.if %cond3A_121 {
        %dma_wait3A_209 = arith.constant 0 : i32
        %dma_wait3A_210 = tpu.memref_slice %arg4[%mul3A_4, %dma_wait3A_209] : memref<819200x128xf32, #tpu.memory_space<hbm>> -> memref<128x128xf32, #tpu.memory_space<hbm>>
        %dma_wait3A_211 = arith.constant 0 : i32
        %dma_wait3A_212 = tpu.memref_slice %arg4[%mul3A_4, %dma_wait3A_211] : memref<819200x128xf32, #tpu.memory_space<hbm>> -> memref<128x128xf32, #tpu.memory_space<hbm>>
        tpu.wait_dma2 semaphore(%arg17 : memref<!tpu.dma_semaphore, #tpu.memory_space<semaphore_mem>>) src(%arg7 : memref<128x128xf32, #tpu.memory_space<vmem>>) dst(%dma_wait3A_212 : memref<128x128xf32, #tpu.memory_space<hbm>>)
        %add3A_213 = arith.constant 5 : i32
        %add3A_214 = arith.addi %add3A_96, %add3A_213 : i32
        %dma_start3A_215 = arith.constant 0 : i32
        %dma_start3A_216 = tpu.memref_slice %arg5[%add3A_214, %dma_start3A_215] : memref<200x128xi32, #tpu.memory_space<vmem>> -> memref<1x128xi32, #tpu.memory_space<vmem>>
        %dma_start3A_217 = tpu.memref_squeeze %dma_start3A_216 : memref<1x128xi32, #tpu.memory_space<vmem>> -> memref<128xi32, #tpu.memory_space<vmem>>
        %dma_start3A_218 = arith.constant 0 : i32
        %dma_start3A_219 = arith.constant 0 : i32
        %dma_start3A_220 = tpu.memref_slice %arg3[%dma_start3A_218, %dma_start3A_219] : memref<100000x128xf32, #tpu.memory_space<hbm>> -> memref<100000x128xf32, #tpu.memory_space<hbm>>
        tpu.enqueue_indirect_dma source(%dma_start3A_220 : memref<100000x128xf32, #tpu.memory_space<hbm>>) target(%arg7 : memref<128x128xf32, #tpu.memory_space<vmem>>) offsets(%dma_start3A_217 : memref<128xi32, #tpu.memory_space<vmem>>) semaphore(%arg12 : memref<!tpu.dma_semaphore, #tpu.memory_space<semaphore_mem>>)
      } else {
      }
      %mul3A_122 = arith.constant 5 : i32
      %mul3A_123 = arith.muli %add3A_66, %mul3A_122 : i32
      %add3A_124 = arith.constant 2 : i32
      %add3A_125 = arith.addi %mul3A_123, %add3A_124 : i32
      %dma_wait3A_126 = arith.constant 0 : i32
      %dma_wait3A_127 = tpu.memref_slice %arg5[%add3A_125, %dma_wait3A_126] : memref<200x128xi32, #tpu.memory_space<vmem>> -> memref<1x128xi32, #tpu.memory_space<vmem>>
      %dma_wait3A_128 = tpu.memref_squeeze %dma_wait3A_127 : memref<1x128xi32, #tpu.memory_space<vmem>> -> memref<128xi32, #tpu.memory_space<vmem>>
      %dma_wait3A_129 = arith.constant 0 : i32
      %dma_wait3A_130 = arith.constant 0 : i32
      %dma_wait3A_131 = tpu.memref_slice %arg3[%dma_wait3A_129, %dma_wait3A_130] : memref<100000x128xf32, #tpu.memory_space<hbm>> -> memref<100000x128xf32, #tpu.memory_space<hbm>>
      tpu.wait_indirect_dma semaphore(%arg13 : memref<!tpu.dma_semaphore, #tpu.memory_space<semaphore_mem>>) src(%dma_wait3A_131 : memref<100000x128xf32, #tpu.memory_space<hbm>>) dst(%arg8 : memref<128x128xf32, #tpu.memory_space<vmem>>)
      %scan3A_132 = arith.constant 0 : i32
      %scan3A_133 = arith.constant 128 : i32
      %scan3A_134 = arith.addi %scan3A_132, %scan3A_133 : i32
      %scan3A_135 = arith.constant 2 : i32
      scf.for %scan3A_209 = %scan3A_132 to %scan3A_134 step %scan3A_135  : i32 {
        %mul3A_210 = arith.constant 1 : i32
        %mul3A_211 = arith.muli %scan3A_209, %mul3A_210 : i32
        %add3A_212 = arith.constant 0 : i32
        %add3A_213 = arith.addi %add3A_212, %mul3A_211 : i32
        %get3A = arith.index_cast %add3A_213 : i32 to index
        %get3A_214 = arith.constant 0 : index
        %get3A_215 = tpu.vector_load %arg8[%get3A, %get3A_214] {strides = array<i32>} : memref<128x128xf32, #tpu.memory_space<vmem>>, vector<1x16xf32>,
        %get3A_216 = vector.shape_cast %get3A_215 : vector<1x16xf32> to vector<16xf32>
        %mul3A_217 = arith.constant 11.3137083 : f32
        %mul3A_218 = vector.broadcast %mul3A_217 : f32 to vector<16xf32>
        %mul3A_219 = arith.mulf %get3A_216, %mul3A_218 : vector<16xf32>
        %swap3A = arith.index_cast %add3A_213 : i32 to index
        %swap3A_220 = arith.constant 0 : index
        %swap3A_221 = tpu.vector_load %arg8[%swap3A, %swap3A_220] {strides = array<i32>} : memref<128x128xf32, #tpu.memory_space<vmem>>, vector<1x16xf32>,
        %swap3A_222 = vector.shape_cast %swap3A_221 : vector<1x16xf32> to vector<16xf32>
        %swap3A_223 = vector.shape_cast %mul3A_219 : vector<16xf32> to vector<1x16xf32>
        tpu.vector_store %arg8[%swap3A, %swap3A_220], %swap3A_223 {strides = array<i32>} : memref<128x128xf32, #tpu.memory_space<vmem>>, vector<1x16xf32>,
        %get3A_224 = arith.index_cast %add3A_213 : i32 to index
        %get3A_225 = arith.constant 16 : index
        %get3A_226 = tpu.vector_load %arg8[%get3A_224, %get3A_225] {strides = array<i32>} : memref<128x128xf32, #tpu.memory_space<vmem>>, vector<1x16xf32>,
        %get3A_227 = vector.shape_cast %get3A_226 : vector<1x16xf32> to vector<16xf32>
        %mul3A_228 = arith.constant 11.3137083 : f32
        %mul3A_229 = vector.broadcast %mul3A_228 : f32 to vector<16xf32>
        %mul3A_230 = arith.mulf %get3A_227, %mul3A_229 : vector<16xf32>
        %swap3A_231 = arith.index_cast %add3A_213 : i32 to index
        %swap3A_232 = arith.constant 16 : index
        %swap3A_233 = tpu.vector_load %arg8[%swap3A_231, %swap3A_232] {strides = array<i32>} : memref<128x128xf32, #tpu.memory_space<vmem>>, vector<1x16xf32>,
        %swap3A_234 = vector.shape_cast %swap3A_233 : vector<1x16xf32> to vector<16xf32>
        %swap3A_235 = vector.shape_cast %mul3A_230 : vector<16xf32> to vector<1x16xf32>
        tpu.vector_store %arg8[%swap3A_231, %swap3A_232], %swap3A_235 {strides = array<i32>} : memref<128x128xf32, #tpu.memory_space<vmem>>, vector<1x16xf32>,
        %get3A_236 = arith.index_cast %add3A_213 : i32 to index
        %get3A_237 = arith.constant 32 : index
        %get3A_238 = tpu.vector_load %arg8[%get3A_236, %get3A_237] {strides = array<i32>} : memref<128x128xf32, #tpu.memory_space<vmem>>, vector<1x16xf32>,
        %get3A_239 = vector.shape_cast %get3A_238 : vector<1x16xf32> to vector<16xf32>
        %mul3A_240 = arith.constant 11.3137083 : f32
        %mul3A_241 = vector.broadcast %mul3A_240 : f32 to vector<16xf32>
        %mul3A_242 = arith.mulf %get3A_239, %mul3A_241 : vector<16xf32>
        %swap3A_243 = arith.index_cast %add3A_213 : i32 to index
        %swap3A_244 = arith.constant 32 : index
        %swap3A_245 = tpu.vector_load %arg8[%swap3A_243, %swap3A_244] {strides = array<i32>} : memref<128x128xf32, #tpu.memory_space<vmem>>, vector<1x16xf32>,
        %swap3A_246 = vector.shape_cast %swap3A_245 : vector<1x16xf32> to vector<16xf32>
        %swap3A_247 = vector.shape_cast %mul3A_242 : vector<16xf32> to vector<1x16xf32>
        tpu.vector_store %arg8[%swap3A_243, %swap3A_244], %swap3A_247 {strides = array<i32>} : memref<128x128xf32, #tpu.memory_space<vmem>>, vector<1x16xf32>,
        %get3A_248 = arith.index_cast %add3A_213 : i32 to index
        %get3A_249 = arith.constant 48 : index
        %get3A_250 = tpu.vector_load %arg8[%get3A_248, %get3A_249] {strides = array<i32>} : memref<128x128xf32, #tpu.memory_space<vmem>>, vector<1x16xf32>,
        %get3A_251 = vector.shape_cast %get3A_250 : vector<1x16xf32> to vector<16xf32>
        %mul3A_252 = arith.constant 11.3137083 : f32
        %mul3A_253 = vector.broadcast %mul3A_252 : f32 to vector<16xf32>
        %mul3A_254 = arith.mulf %get3A_251, %mul3A_253 : vector<16xf32>
        %swap3A_255 = arith.index_cast %add3A_213 : i32 to index
        %swap3A_256 = arith.constant 48 : index
        %swap3A_257 = tpu.vector_load %arg8[%swap3A_255, %swap3A_256] {strides = array<i32>} : memref<128x128xf32, #tpu.memory_space<vmem>>, vector<1x16xf32>,
        %swap3A_258 = vector.shape_cast %swap3A_257 : vector<1x16xf32> to vector<16xf32>
        %swap3A_259 = vector.shape_cast %mul3A_254 : vector<16xf32> to vector<1x16xf32>
        tpu.vector_store %arg8[%swap3A_255, %swap3A_256], %swap3A_259 {strides = array<i32>} : memref<128x128xf32, #tpu.memory_space<vmem>>, vector<1x16xf32>,
        %get3A_260 = arith.index_cast %add3A_213 : i32 to index
        %get3A_261 = arith.constant 64 : index
        %get3A_262 = tpu.vector_load %arg8[%get3A_260, %get3A_261] {strides = array<i32>} : memref<128x128xf32, #tpu.memory_space<vmem>>, vector<1x16xf32>,
        %get3A_263 = vector.shape_cast %get3A_262 : vector<1x16xf32> to vector<16xf32>
        %mul3A_264 = arith.constant 11.3137083 : f32
        %mul3A_265 = vector.broadcast %mul3A_264 : f32 to vector<16xf32>
        %mul3A_266 = arith.mulf %get3A_263, %mul3A_265 : vector<16xf32>
        %swap3A_267 = arith.index_cast %add3A_213 : i32 to index
        %swap3A_268 = arith.constant 64 : index
        %swap3A_269 = tpu.vector_load %arg8[%swap3A_267, %swap3A_268] {strides = array<i32>} : memref<128x128xf32, #tpu.memory_space<vmem>>, vector<1x16xf32>,
        %swap3A_270 = vector.shape_cast %swap3A_269 : vector<1x16xf32> to vector<16xf32>
        %swap3A_271 = vector.shape_cast %mul3A_266 : vector<16xf32> to vector<1x16xf32>
        tpu.vector_store %arg8[%swap3A_267, %swap3A_268], %swap3A_271 {strides = array<i32>} : memref<128x128xf32, #tpu.memory_space<vmem>>, vector<1x16xf32>,
        %get3A_272 = arith.index_cast %add3A_213 : i32 to index
        %get3A_273 = arith.constant 80 : index
        %get3A_274 = tpu.vector_load %arg8[%get3A_272, %get3A_273] {strides = array<i32>} : memref<128x128xf32, #tpu.memory_space<vmem>>, vector<1x16xf32>,
        %get3A_275 = vector.shape_cast %get3A_274 : vector<1x16xf32> to vector<16xf32>
        %mul3A_276 = arith.constant 11.3137083 : f32
        %mul3A_277 = vector.broadcast %mul3A_276 : f32 to vector<16xf32>
        %mul3A_278 = arith.mulf %get3A_275, %mul3A_277 : vector<16xf32>
        %swap3A_279 = arith.index_cast %add3A_213 : i32 to index
        %swap3A_280 = arith.constant 80 : index
        %swap3A_281 = tpu.vector_load %arg8[%swap3A_279, %swap3A_280] {strides = array<i32>} : memref<128x128xf32, #tpu.memory_space<vmem>>, vector<1x16xf32>,
        %swap3A_282 = vector.shape_cast %swap3A_281 : vector<1x16xf32> to vector<16xf32>
        %swap3A_283 = vector.shape_cast %mul3A_278 : vector<16xf32> to vector<1x16xf32>
        tpu.vector_store %arg8[%swap3A_279, %swap3A_280], %swap3A_283 {strides = array<i32>} : memref<128x128xf32, #tpu.memory_space<vmem>>, vector<1x16xf32>,
        %get3A_284 = arith.index_cast %add3A_213 : i32 to index
        %get3A_285 = arith.constant 96 : index
        %get3A_286 = tpu.vector_load %arg8[%get3A_284, %get3A_285] {strides = array<i32>} : memref<128x128xf32, #tpu.memory_space<vmem>>, vector<1x16xf32>,
        %get3A_287 = vector.shape_cast %get3A_286 : vector<1x16xf32> to vector<16xf32>
        %mul3A_288 = arith.constant 11.3137083 : f32
        %mul3A_289 = vector.broadcast %mul3A_288 : f32 to vector<16xf32>
        %mul3A_290 = arith.mulf %get3A_287, %mul3A_289 : vector<16xf32>
        %swap3A_291 = arith.index_cast %add3A_213 : i32 to index
        %swap3A_292 = arith.constant 96 : index
        %swap3A_293 = tpu.vector_load %arg8[%swap3A_291, %swap3A_292] {strides = array<i32>} : memref<128x128xf32, #tpu.memory_space<vmem>>, vector<1x16xf32>,
        %swap3A_294 = vector.shape_cast %swap3A_293 : vector<1x16xf32> to vector<16xf32>
        %swap3A_295 = vector.shape_cast %mul3A_290 : vector<16xf32> to vector<1x16xf32>
        tpu.vector_store %arg8[%swap3A_291, %swap3A_292], %swap3A_295 {strides = array<i32>} : memref<128x128xf32, #tpu.memory_space<vmem>>, vector<1x16xf32>,
        %get3A_296 = arith.index_cast %add3A_213 : i32 to index
        %get3A_297 = arith.constant 112 : index
        %get3A_298 = tpu.vector_load %arg8[%get3A_296, %get3A_297] {strides = array<i32>} : memref<128x128xf32, #tpu.memory_space<vmem>>, vector<1x16xf32>,
        %get3A_299 = vector.shape_cast %get3A_298 : vector<1x16xf32> to vector<16xf32>
        %mul3A_300 = arith.constant 11.3137083 : f32
        %mul3A_301 = vector.broadcast %mul3A_300 : f32 to vector<16xf32>
        %mul3A_302 = arith.mulf %get3A_299, %mul3A_301 : vector<16xf32>
        %swap3A_303 = arith.index_cast %add3A_213 : i32 to index
        %swap3A_304 = arith.constant 112 : index
        %swap3A_305 = tpu.vector_load %arg8[%swap3A_303, %swap3A_304] {strides = array<i32>} : memref<128x128xf32, #tpu.memory_space<vmem>>, vector<1x16xf32>,
        %swap3A_306 = vector.shape_cast %swap3A_305 : vector<1x16xf32> to vector<16xf32>
        %swap3A_307 = vector.shape_cast %mul3A_302 : vector<16xf32> to vector<1x16xf32>
        tpu.vector_store %arg8[%swap3A_303, %swap3A_304], %swap3A_307 {strides = array<i32>} : memref<128x128xf32, #tpu.memory_space<vmem>>, vector<1x16xf32>,
        %scan3A_308 = arith.constant 1 : i32
        %scan3A_309 = arith.addi %scan3A_209, %scan3A_308 : i32
        %mul3A_310 = arith.constant 1 : i32
        %mul3A_311 = arith.muli %scan3A_309, %mul3A_310 : i32
        %add3A_312 = arith.constant 0 : i32
        %add3A_313 = arith.addi %add3A_312, %mul3A_311 : i32
        %get3A_314 = arith.index_cast %add3A_313 : i32 to index
        %get3A_315 = arith.constant 0 : index
        %get3A_316 = tpu.vector_load %arg8[%get3A_314, %get3A_315] {strides = array<i32>} : memref<128x128xf32, #tpu.memory_space<vmem>>, vector<1x16xf32>,
        %get3A_317 = vector.shape_cast %get3A_316 : vector<1x16xf32> to vector<16xf32>
        %mul3A_318 = arith.constant 11.3137083 : f32
        %mul3A_319 = vector.broadcast %mul3A_318 : f32 to vector<16xf32>
        %mul3A_320 = arith.mulf %get3A_317, %mul3A_319 : vector<16xf32>
        %swap3A_321 = arith.index_cast %add3A_313 : i32 to index
        %swap3A_322 = arith.constant 0 : index
        %swap3A_323 = tpu.vector_load %arg8[%swap3A_321, %swap3A_322] {strides = array<i32>} : memref<128x128xf32, #tpu.memory_space<vmem>>, vector<1x16xf32>,
        %swap3A_324 = vector.shape_cast %swap3A_323 : vector<1x16xf32> to vector<16xf32>
        %swap3A_325 = vector.shape_cast %mul3A_320 : vector<16xf32> to vector<1x16xf32>
        tpu.vector_store %arg8[%swap3A_321, %swap3A_322], %swap3A_325 {strides = array<i32>} : memref<128x128xf32, #tpu.memory_space<vmem>>, vector<1x16xf32>,
        %get3A_326 = arith.index_cast %add3A_313 : i32 to index
        %get3A_327 = arith.constant 16 : index
        %get3A_328 = tpu.vector_load %arg8[%get3A_326, %get3A_327] {strides = array<i32>} : memref<128x128xf32, #tpu.memory_space<vmem>>, vector<1x16xf32>,
        %get3A_329 = vector.shape_cast %get3A_328 : vector<1x16xf32> to vector<16xf32>
        %mul3A_330 = arith.constant 11.3137083 : f32
        %mul3A_331 = vector.broadcast %mul3A_330 : f32 to vector<16xf32>
        %mul3A_332 = arith.mulf %get3A_329, %mul3A_331 : vector<16xf32>
        %swap3A_333 = arith.index_cast %add3A_313 : i32 to index
        %swap3A_334 = arith.constant 16 : index
        %swap3A_335 = tpu.vector_load %arg8[%swap3A_333, %swap3A_334] {strides = array<i32>} : memref<128x128xf32, #tpu.memory_space<vmem>>, vector<1x16xf32>,
        %swap3A_336 = vector.shape_cast %swap3A_335 : vector<1x16xf32> to vector<16xf32>
        %swap3A_337 = vector.shape_cast %mul3A_332 : vector<16xf32> to vector<1x16xf32>
        tpu.vector_store %arg8[%swap3A_333, %swap3A_334], %swap3A_337 {strides = array<i32>} : memref<128x128xf32, #tpu.memory_space<vmem>>, vector<1x16xf32>,
        %get3A_338 = arith.index_cast %add3A_313 : i32 to index
        %get3A_339 = arith.constant 32 : index
        %get3A_340 = tpu.vector_load %arg8[%get3A_338, %get3A_339] {strides = array<i32>} : memref<128x128xf32, #tpu.memory_space<vmem>>, vector<1x16xf32>,
        %get3A_341 = vector.shape_cast %get3A_340 : vector<1x16xf32> to vector<16xf32>
        %mul3A_342 = arith.constant 11.3137083 : f32
        %mul3A_343 = vector.broadcast %mul3A_342 : f32 to vector<16xf32>
        %mul3A_344 = arith.mulf %get3A_341, %mul3A_343 : vector<16xf32>
        %swap3A_345 = arith.index_cast %add3A_313 : i32 to index
        %swap3A_346 = arith.constant 32 : index
        %swap3A_347 = tpu.vector_load %arg8[%swap3A_345, %swap3A_346] {strides = array<i32>} : memref<128x128xf32, #tpu.memory_space<vmem>>, vector<1x16xf32>,
        %swap3A_348 = vector.shape_cast %swap3A_347 : vector<1x16xf32> to vector<16xf32>
        %swap3A_349 = vector.shape_cast %mul3A_344 : vector<16xf32> to vector<1x16xf32>
        tpu.vector_store %arg8[%swap3A_345, %swap3A_346], %swap3A_349 {strides = array<i32>} : memref<128x128xf32, #tpu.memory_space<vmem>>, vector<1x16xf32>,
        %get3A_350 = arith.index_cast %add3A_313 : i32 to index
        %get3A_351 = arith.constant 48 : index
        %get3A_352 = tpu.vector_load %arg8[%get3A_350, %get3A_351] {strides = array<i32>} : memref<128x128xf32, #tpu.memory_space<vmem>>, vector<1x16xf32>,
        %get3A_353 = vector.shape_cast %get3A_352 : vector<1x16xf32> to vector<16xf32>
        %mul3A_354 = arith.constant 11.3137083 : f32
        %mul3A_355 = vector.broadcast %mul3A_354 : f32 to vector<16xf32>
        %mul3A_356 = arith.mulf %get3A_353, %mul3A_355 : vector<16xf32>
        %swap3A_357 = arith.index_cast %add3A_313 : i32 to index
        %swap3A_358 = arith.constant 48 : index
        %swap3A_359 = tpu.vector_load %arg8[%swap3A_357, %swap3A_358] {strides = array<i32>} : memref<128x128xf32, #tpu.memory_space<vmem>>, vector<1x16xf32>,
        %swap3A_360 = vector.shape_cast %swap3A_359 : vector<1x16xf32> to vector<16xf32>
        %swap3A_361 = vector.shape_cast %mul3A_356 : vector<16xf32> to vector<1x16xf32>
        tpu.vector_store %arg8[%swap3A_357, %swap3A_358], %swap3A_361 {strides = array<i32>} : memref<128x128xf32, #tpu.memory_space<vmem>>, vector<1x16xf32>,
        %get3A_362 = arith.index_cast %add3A_313 : i32 to index
        %get3A_363 = arith.constant 64 : index
        %get3A_364 = tpu.vector_load %arg8[%get3A_362, %get3A_363] {strides = array<i32>} : memref<128x128xf32, #tpu.memory_space<vmem>>, vector<1x16xf32>,
        %get3A_365 = vector.shape_cast %get3A_364 : vector<1x16xf32> to vector<16xf32>
        %mul3A_366 = arith.constant 11.3137083 : f32
        %mul3A_367 = vector.broadcast %mul3A_366 : f32 to vector<16xf32>
        %mul3A_368 = arith.mulf %get3A_365, %mul3A_367 : vector<16xf32>
        %swap3A_369 = arith.index_cast %add3A_313 : i32 to index
        %swap3A_370 = arith.constant 64 : index
        %swap3A_371 = tpu.vector_load %arg8[%swap3A_369, %swap3A_370] {strides = array<i32>} : memref<128x128xf32, #tpu.memory_space<vmem>>, vector<1x16xf32>,
        %swap3A_372 = vector.shape_cast %swap3A_371 : vector<1x16xf32> to vector<16xf32>
        %swap3A_373 = vector.shape_cast %mul3A_368 : vector<16xf32> to vector<1x16xf32>
        tpu.vector_store %arg8[%swap3A_369, %swap3A_370], %swap3A_373 {strides = array<i32>} : memref<128x128xf32, #tpu.memory_space<vmem>>, vector<1x16xf32>,
        %get3A_374 = arith.index_cast %add3A_313 : i32 to index
        %get3A_375 = arith.constant 80 : index
        %get3A_376 = tpu.vector_load %arg8[%get3A_374, %get3A_375] {strides = array<i32>} : memref<128x128xf32, #tpu.memory_space<vmem>>, vector<1x16xf32>,
        %get3A_377 = vector.shape_cast %get3A_376 : vector<1x16xf32> to vector<16xf32>
        %mul3A_378 = arith.constant 11.3137083 : f32
        %mul3A_379 = vector.broadcast %mul3A_378 : f32 to vector<16xf32>
        %mul3A_380 = arith.mulf %get3A_377, %mul3A_379 : vector<16xf32>
        %swap3A_381 = arith.index_cast %add3A_313 : i32 to index
        %swap3A_382 = arith.constant 80 : index
        %swap3A_383 = tpu.vector_load %arg8[%swap3A_381, %swap3A_382] {strides = array<i32>} : memref<128x128xf32, #tpu.memory_space<vmem>>, vector<1x16xf32>,
        %swap3A_384 = vector.shape_cast %swap3A_383 : vector<1x16xf32> to vector<16xf32>
        %swap3A_385 = vector.shape_cast %mul3A_380 : vector<16xf32> to vector<1x16xf32>
        tpu.vector_store %arg8[%swap3A_381, %swap3A_382], %swap3A_385 {strides = array<i32>} : memref<128x128xf32, #tpu.memory_space<vmem>>, vector<1x16xf32>,
        %get3A_386 = arith.index_cast %add3A_313 : i32 to index
        %get3A_387 = arith.constant 96 : index
        %get3A_388 = tpu.vector_load %arg8[%get3A_386, %get3A_387] {strides = array<i32>} : memref<128x128xf32, #tpu.memory_space<vmem>>, vector<1x16xf32>,
        %get3A_389 = vector.shape_cast %get3A_388 : vector<1x16xf32> to vector<16xf32>
        %mul3A_390 = arith.constant 11.3137083 : f32
        %mul3A_391 = vector.broadcast %mul3A_390 : f32 to vector<16xf32>
        %mul3A_392 = arith.mulf %get3A_389, %mul3A_391 : vector<16xf32>
        %swap3A_393 = arith.index_cast %add3A_313 : i32 to index
        %swap3A_394 = arith.constant 96 : index
        %swap3A_395 = tpu.vector_load %arg8[%swap3A_393, %swap3A_394] {strides = array<i32>} : memref<128x128xf32, #tpu.memory_space<vmem>>, vector<1x16xf32>,
        %swap3A_396 = vector.shape_cast %swap3A_395 : vector<1x16xf32> to vector<16xf32>
        %swap3A_397 = vector.shape_cast %mul3A_392 : vector<16xf32> to vector<1x16xf32>
        tpu.vector_store %arg8[%swap3A_393, %swap3A_394], %swap3A_397 {strides = array<i32>} : memref<128x128xf32, #tpu.memory_space<vmem>>, vector<1x16xf32>,
        %get3A_398 = arith.index_cast %add3A_313 : i32 to index
        %get3A_399 = arith.constant 112 : index
        %get3A_400 = tpu.vector_load %arg8[%get3A_398, %get3A_399] {strides = array<i32>} : memref<128x128xf32, #tpu.memory_space<vmem>>, vector<1x16xf32>,
        %get3A_401 = vector.shape_cast %get3A_400 : vector<1x16xf32> to vector<16xf32>
        %mul3A_402 = arith.constant 11.3137083 : f32
        %mul3A_403 = vector.broadcast %mul3A_402 : f32 to vector<16xf32>
        %mul3A_404 = arith.mulf %get3A_401, %mul3A_403 : vector<16xf32>
        %swap3A_405 = arith.index_cast %add3A_313 : i32 to index
        %swap3A_406 = arith.constant 112 : index
        %swap3A_407 = tpu.vector_load %arg8[%swap3A_405, %swap3A_406] {strides = array<i32>} : memref<128x128xf32, #tpu.memory_space<vmem>>, vector<1x16xf32>,
        %swap3A_408 = vector.shape_cast %swap3A_407 : vector<1x16xf32> to vector<16xf32>
        %swap3A_409 = vector.shape_cast %mul3A_404 : vector<16xf32> to vector<1x16xf32>
        tpu.vector_store %arg8[%swap3A_405, %swap3A_406], %swap3A_409 {strides = array<i32>} : memref<128x128xf32, #tpu.memory_space<vmem>>, vector<1x16xf32>,
      }
      %scan3A_136 = arith.constant 128 : i32
      %mul3A_137 = arith.constant 128 : i32
      %mul3A_138 = arith.muli %add3A_125, %mul3A_137 : i32
      %add3A_139 = arith.addi %mul3A_4, %mul3A_138 : i32
      %dma_start3A_140 = arith.constant 0 : i32
      %dma_start3A_141 = tpu.memref_slice %arg4[%add3A_139, %dma_start3A_140] : memref<819200x128xf32, #tpu.memory_space<hbm>> -> memref<128x128xf32, #tpu.memory_space<hbm>>
      %dma_start3A_142 = arith.constant 0 : i32
      %dma_start3A_143 = tpu.memref_slice %arg4[%add3A_139, %dma_start3A_142] : memref<819200x128xf32, #tpu.memory_space<hbm>> -> memref<128x128xf32, #tpu.memory_space<hbm>>
      tpu.enqueue_dma source(%arg8 : memref<128x128xf32, #tpu.memory_space<vmem>>) target(%dma_start3A_143 : memref<128x128xf32, #tpu.memory_space<hbm>>) target_semaphore(%arg18 : memref<!tpu.dma_semaphore, #tpu.memory_space<semaphore_mem>>)
      %add3A_144 = arith.constant 1 : i32
      %add3A_145 = arith.addi %add3A_66, %add3A_144 : i32
      %lt3A_146 = arith.constant 40 : i32
      %lt3A_147 = arith.cmpi slt, %add3A_145, %lt3A_146 : i32
      %convert_element_type3A_148 = arith.extui %lt3A_147 : i1 to i32
      %cond3A_149 = arith.constant 0 : i32
      %cond3A_150 = arith.cmpi ne, %convert_element_type3A_148, %cond3A_149 : i32
      scf.if %cond3A_150 {
        %dma_wait3A_209 = arith.constant 0 : i32
        %dma_wait3A_210 = tpu.memref_slice %arg4[%mul3A_4, %dma_wait3A_209] : memref<819200x128xf32, #tpu.memory_space<hbm>> -> memref<128x128xf32, #tpu.memory_space<hbm>>
        %dma_wait3A_211 = arith.constant 0 : i32
        %dma_wait3A_212 = tpu.memref_slice %arg4[%mul3A_4, %dma_wait3A_211] : memref<819200x128xf32, #tpu.memory_space<hbm>> -> memref<128x128xf32, #tpu.memory_space<hbm>>
        tpu.wait_dma2 semaphore(%arg18 : memref<!tpu.dma_semaphore, #tpu.memory_space<semaphore_mem>>) src(%arg8 : memref<128x128xf32, #tpu.memory_space<vmem>>) dst(%dma_wait3A_212 : memref<128x128xf32, #tpu.memory_space<hbm>>)
        %add3A_213 = arith.constant 5 : i32
        %add3A_214 = arith.addi %add3A_125, %add3A_213 : i32
        %dma_start3A_215 = arith.constant 0 : i32
        %dma_start3A_216 = tpu.memref_slice %arg5[%add3A_214, %dma_start3A_215] : memref<200x128xi32, #tpu.memory_space<vmem>> -> memref<1x128xi32, #tpu.memory_space<vmem>>
        %dma_start3A_217 = tpu.memref_squeeze %dma_start3A_216 : memref<1x128xi32, #tpu.memory_space<vmem>> -> memref<128xi32, #tpu.memory_space<vmem>>
        %dma_start3A_218 = arith.constant 0 : i32
        %dma_start3A_219 = arith.constant 0 : i32
        %dma_start3A_220 = tpu.memref_slice %arg3[%dma_start3A_218, %dma_start3A_219] : memref<100000x128xf32, #tpu.memory_space<hbm>> -> memref<100000x128xf32, #tpu.memory_space<hbm>>
        tpu.enqueue_indirect_dma source(%dma_start3A_220 : memref<100000x128xf32, #tpu.memory_space<hbm>>) target(%arg8 : memref<128x128xf32, #tpu.memory_space<vmem>>) offsets(%dma_start3A_217 : memref<128xi32, #tpu.memory_space<vmem>>) semaphore(%arg13 : memref<!tpu.dma_semaphore, #tpu.memory_space<semaphore_mem>>)
      } else {
      }
      %mul3A_151 = arith.constant 5 : i32
      %mul3A_152 = arith.muli %add3A_66, %mul3A_151 : i32
      %add3A_153 = arith.constant 3 : i32
      %add3A_154 = arith.addi %mul3A_152, %add3A_153 : i32
      %dma_wait3A_155 = arith.constant 0 : i32
      %dma_wait3A_156 = tpu.memref_slice %arg5[%add3A_154, %dma_wait3A_155] : memref<200x128xi32, #tpu.memory_space<vmem>> -> memref<1x128xi32, #tpu.memory_space<vmem>>
      %dma_wait3A_157 = tpu.memref_squeeze %dma_wait3A_156 : memref<1x128xi32, #tpu.memory_space<vmem>> -> memref<128xi32, #tpu.memory_space<vmem>>
      %dma_wait3A_158 = arith.constant 0 : i32
      %dma_wait3A_159 = arith.constant 0 : i32
      %dma_wait3A_160 = tpu.memref_slice %arg3[%dma_wait3A_158, %dma_wait3A_159] : memref<100000x128xf32, #tpu.memory_space<hbm>> -> memref<100000x128xf32, #tpu.memory_space<hbm>>
      tpu.wait_indirect_dma semaphore(%arg14 : memref<!tpu.dma_semaphore, #tpu.memory_space<semaphore_mem>>) src(%dma_wait3A_160 : memref<100000x128xf32, #tpu.memory_space<hbm>>) dst(%arg9 : memref<128x128xf32, #tpu.memory_space<vmem>>)
      %scan3A_161 = arith.constant 0 : i32
      %scan3A_162 = arith.constant 128 : i32
      %scan3A_163 = arith.addi %scan3A_161, %scan3A_162 : i32
      %scan3A_164 = arith.constant 2 : i32
      scf.for %scan3A_209 = %scan3A_161 to %scan3A_163 step %scan3A_164  : i32 {
        %mul3A_210 = arith.constant 1 : i32
        %mul3A_211 = arith.muli %scan3A_209, %mul3A_210 : i32
        %add3A_212 = arith.constant 0 : i32
        %add3A_213 = arith.addi %add3A_212, %mul3A_211 : i32
        %get3A = arith.index_cast %add3A_213 : i32 to index
        %get3A_214 = arith.constant 0 : index
        %get3A_215 = tpu.vector_load %arg9[%get3A, %get3A_214] {strides = array<i32>} : memref<128x128xf32, #tpu.memory_space<vmem>>, vector<1x16xf32>,
        %get3A_216 = vector.shape_cast %get3A_215 : vector<1x16xf32> to vector<16xf32>
        %mul3A_217 = arith.constant 11.3137083 : f32
        %mul3A_218 = vector.broadcast %mul3A_217 : f32 to vector<16xf32>
        %mul3A_219 = arith.mulf %get3A_216, %mul3A_218 : vector<16xf32>
        %swap3A = arith.index_cast %add3A_213 : i32 to index
        %swap3A_220 = arith.constant 0 : index
        %swap3A_221 = tpu.vector_load %arg9[%swap3A, %swap3A_220] {strides = array<i32>} : memref<128x128xf32, #tpu.memory_space<vmem>>, vector<1x16xf32>,
        %swap3A_222 = vector.shape_cast %swap3A_221 : vector<1x16xf32> to vector<16xf32>
        %swap3A_223 = vector.shape_cast %mul3A_219 : vector<16xf32> to vector<1x16xf32>
        tpu.vector_store %arg9[%swap3A, %swap3A_220], %swap3A_223 {strides = array<i32>} : memref<128x128xf32, #tpu.memory_space<vmem>>, vector<1x16xf32>,
        %get3A_224 = arith.index_cast %add3A_213 : i32 to index
        %get3A_225 = arith.constant 16 : index
        %get3A_226 = tpu.vector_load %arg9[%get3A_224, %get3A_225] {strides = array<i32>} : memref<128x128xf32, #tpu.memory_space<vmem>>, vector<1x16xf32>,
        %get3A_227 = vector.shape_cast %get3A_226 : vector<1x16xf32> to vector<16xf32>
        %mul3A_228 = arith.constant 11.3137083 : f32
        %mul3A_229 = vector.broadcast %mul3A_228 : f32 to vector<16xf32>
        %mul3A_230 = arith.mulf %get3A_227, %mul3A_229 : vector<16xf32>
        %swap3A_231 = arith.index_cast %add3A_213 : i32 to index
        %swap3A_232 = arith.constant 16 : index
        %swap3A_233 = tpu.vector_load %arg9[%swap3A_231, %swap3A_232] {strides = array<i32>} : memref<128x128xf32, #tpu.memory_space<vmem>>, vector<1x16xf32>,
        %swap3A_234 = vector.shape_cast %swap3A_233 : vector<1x16xf32> to vector<16xf32>
        %swap3A_235 = vector.shape_cast %mul3A_230 : vector<16xf32> to vector<1x16xf32>
        tpu.vector_store %arg9[%swap3A_231, %swap3A_232], %swap3A_235 {strides = array<i32>} : memref<128x128xf32, #tpu.memory_space<vmem>>, vector<1x16xf32>,
        %get3A_236 = arith.index_cast %add3A_213 : i32 to index
        %get3A_237 = arith.constant 32 : index
        %get3A_238 = tpu.vector_load %arg9[%get3A_236, %get3A_237] {strides = array<i32>} : memref<128x128xf32, #tpu.memory_space<vmem>>, vector<1x16xf32>,
        %get3A_239 = vector.shape_cast %get3A_238 : vector<1x16xf32> to vector<16xf32>
        %mul3A_240 = arith.constant 11.3137083 : f32
        %mul3A_241 = vector.broadcast %mul3A_240 : f32 to vector<16xf32>
        %mul3A_242 = arith.mulf %get3A_239, %mul3A_241 : vector<16xf32>
        %swap3A_243 = arith.index_cast %add3A_213 : i32 to index
        %swap3A_244 = arith.constant 32 : index
        %swap3A_245 = tpu.vector_load %arg9[%swap3A_243, %swap3A_244] {strides = array<i32>} : memref<128x128xf32, #tpu.memory_space<vmem>>, vector<1x16xf32>,
        %swap3A_246 = vector.shape_cast %swap3A_245 : vector<1x16xf32> to vector<16xf32>
        %swap3A_247 = vector.shape_cast %mul3A_242 : vector<16xf32> to vector<1x16xf32>
        tpu.vector_store %arg9[%swap3A_243, %swap3A_244], %swap3A_247 {strides = array<i32>} : memref<128x128xf32, #tpu.memory_space<vmem>>, vector<1x16xf32>,
        %get3A_248 = arith.index_cast %add3A_213 : i32 to index
        %get3A_249 = arith.constant 48 : index
        %get3A_250 = tpu.vector_load %arg9[%get3A_248, %get3A_249] {strides = array<i32>} : memref<128x128xf32, #tpu.memory_space<vmem>>, vector<1x16xf32>,
        %get3A_251 = vector.shape_cast %get3A_250 : vector<1x16xf32> to vector<16xf32>
        %mul3A_252 = arith.constant 11.3137083 : f32
        %mul3A_253 = vector.broadcast %mul3A_252 : f32 to vector<16xf32>
        %mul3A_254 = arith.mulf %get3A_251, %mul3A_253 : vector<16xf32>
        %swap3A_255 = arith.index_cast %add3A_213 : i32 to index
        %swap3A_256 = arith.constant 48 : index
        %swap3A_257 = tpu.vector_load %arg9[%swap3A_255, %swap3A_256] {strides = array<i32>} : memref<128x128xf32, #tpu.memory_space<vmem>>, vector<1x16xf32>,
        %swap3A_258 = vector.shape_cast %swap3A_257 : vector<1x16xf32> to vector<16xf32>
        %swap3A_259 = vector.shape_cast %mul3A_254 : vector<16xf32> to vector<1x16xf32>
        tpu.vector_store %arg9[%swap3A_255, %swap3A_256], %swap3A_259 {strides = array<i32>} : memref<128x128xf32, #tpu.memory_space<vmem>>, vector<1x16xf32>,
        %get3A_260 = arith.index_cast %add3A_213 : i32 to index
        %get3A_261 = arith.constant 64 : index
        %get3A_262 = tpu.vector_load %arg9[%get3A_260, %get3A_261] {strides = array<i32>} : memref<128x128xf32, #tpu.memory_space<vmem>>, vector<1x16xf32>,
        %get3A_263 = vector.shape_cast %get3A_262 : vector<1x16xf32> to vector<16xf32>
        %mul3A_264 = arith.constant 11.3137083 : f32
        %mul3A_265 = vector.broadcast %mul3A_264 : f32 to vector<16xf32>
        %mul3A_266 = arith.mulf %get3A_263, %mul3A_265 : vector<16xf32>
        %swap3A_267 = arith.index_cast %add3A_213 : i32 to index
        %swap3A_268 = arith.constant 64 : index
        %swap3A_269 = tpu.vector_load %arg9[%swap3A_267, %swap3A_268] {strides = array<i32>} : memref<128x128xf32, #tpu.memory_space<vmem>>, vector<1x16xf32>,
        %swap3A_270 = vector.shape_cast %swap3A_269 : vector<1x16xf32> to vector<16xf32>
        %swap3A_271 = vector.shape_cast %mul3A_266 : vector<16xf32> to vector<1x16xf32>
        tpu.vector_store %arg9[%swap3A_267, %swap3A_268], %swap3A_271 {strides = array<i32>} : memref<128x128xf32, #tpu.memory_space<vmem>>, vector<1x16xf32>,
        %get3A_272 = arith.index_cast %add3A_213 : i32 to index
        %get3A_273 = arith.constant 80 : index
        %get3A_274 = tpu.vector_load %arg9[%get3A_272, %get3A_273] {strides = array<i32>} : memref<128x128xf32, #tpu.memory_space<vmem>>, vector<1x16xf32>,
        %get3A_275 = vector.shape_cast %get3A_274 : vector<1x16xf32> to vector<16xf32>
        %mul3A_276 = arith.constant 11.3137083 : f32
        %mul3A_277 = vector.broadcast %mul3A_276 : f32 to vector<16xf32>
        %mul3A_278 = arith.mulf %get3A_275, %mul3A_277 : vector<16xf32>
        %swap3A_279 = arith.index_cast %add3A_213 : i32 to index
        %swap3A_280 = arith.constant 80 : index
        %swap3A_281 = tpu.vector_load %arg9[%swap3A_279, %swap3A_280] {strides = array<i32>} : memref<128x128xf32, #tpu.memory_space<vmem>>, vector<1x16xf32>,
        %swap3A_282 = vector.shape_cast %swap3A_281 : vector<1x16xf32> to vector<16xf32>
        %swap3A_283 = vector.shape_cast %mul3A_278 : vector<16xf32> to vector<1x16xf32>
        tpu.vector_store %arg9[%swap3A_279, %swap3A_280], %swap3A_283 {strides = array<i32>} : memref<128x128xf32, #tpu.memory_space<vmem>>, vector<1x16xf32>,
        %get3A_284 = arith.index_cast %add3A_213 : i32 to index
        %get3A_285 = arith.constant 96 : index
        %get3A_286 = tpu.vector_load %arg9[%get3A_284, %get3A_285] {strides = array<i32>} : memref<128x128xf32, #tpu.memory_space<vmem>>, vector<1x16xf32>,
        %get3A_287 = vector.shape_cast %get3A_286 : vector<1x16xf32> to vector<16xf32>
        %mul3A_288 = arith.constant 11.3137083 : f32
        %mul3A_289 = vector.broadcast %mul3A_288 : f32 to vector<16xf32>
        %mul3A_290 = arith.mulf %get3A_287, %mul3A_289 : vector<16xf32>
        %swap3A_291 = arith.index_cast %add3A_213 : i32 to index
        %swap3A_292 = arith.constant 96 : index
        %swap3A_293 = tpu.vector_load %arg9[%swap3A_291, %swap3A_292] {strides = array<i32>} : memref<128x128xf32, #tpu.memory_space<vmem>>, vector<1x16xf32>,
        %swap3A_294 = vector.shape_cast %swap3A_293 : vector<1x16xf32> to vector<16xf32>
        %swap3A_295 = vector.shape_cast %mul3A_290 : vector<16xf32> to vector<1x16xf32>
        tpu.vector_store %arg9[%swap3A_291, %swap3A_292], %swap3A_295 {strides = array<i32>} : memref<128x128xf32, #tpu.memory_space<vmem>>, vector<1x16xf32>,
        %get3A_296 = arith.index_cast %add3A_213 : i32 to index
        %get3A_297 = arith.constant 112 : index
        %get3A_298 = tpu.vector_load %arg9[%get3A_296, %get3A_297] {strides = array<i32>} : memref<128x128xf32, #tpu.memory_space<vmem>>, vector<1x16xf32>,
        %get3A_299 = vector.shape_cast %get3A_298 : vector<1x16xf32> to vector<16xf32>
        %mul3A_300 = arith.constant 11.3137083 : f32
        %mul3A_301 = vector.broadcast %mul3A_300 : f32 to vector<16xf32>
        %mul3A_302 = arith.mulf %get3A_299, %mul3A_301 : vector<16xf32>
        %swap3A_303 = arith.index_cast %add3A_213 : i32 to index
        %swap3A_304 = arith.constant 112 : index
        %swap3A_305 = tpu.vector_load %arg9[%swap3A_303, %swap3A_304] {strides = array<i32>} : memref<128x128xf32, #tpu.memory_space<vmem>>, vector<1x16xf32>,
        %swap3A_306 = vector.shape_cast %swap3A_305 : vector<1x16xf32> to vector<16xf32>
        %swap3A_307 = vector.shape_cast %mul3A_302 : vector<16xf32> to vector<1x16xf32>
        tpu.vector_store %arg9[%swap3A_303, %swap3A_304], %swap3A_307 {strides = array<i32>} : memref<128x128xf32, #tpu.memory_space<vmem>>, vector<1x16xf32>,
        %scan3A_308 = arith.constant 1 : i32
        %scan3A_309 = arith.addi %scan3A_209, %scan3A_308 : i32
        %mul3A_310 = arith.constant 1 : i32
        %mul3A_311 = arith.muli %scan3A_309, %mul3A_310 : i32
        %add3A_312 = arith.constant 0 : i32
        %add3A_313 = arith.addi %add3A_312, %mul3A_311 : i32
        %get3A_314 = arith.index_cast %add3A_313 : i32 to index
        %get3A_315 = arith.constant 0 : index
        %get3A_316 = tpu.vector_load %arg9[%get3A_314, %get3A_315] {strides = array<i32>} : memref<128x128xf32, #tpu.memory_space<vmem>>, vector<1x16xf32>,
        %get3A_317 = vector.shape_cast %get3A_316 : vector<1x16xf32> to vector<16xf32>
        %mul3A_318 = arith.constant 11.3137083 : f32
        %mul3A_319 = vector.broadcast %mul3A_318 : f32 to vector<16xf32>
        %mul3A_320 = arith.mulf %get3A_317, %mul3A_319 : vector<16xf32>
        %swap3A_321 = arith.index_cast %add3A_313 : i32 to index
        %swap3A_322 = arith.constant 0 : index
        %swap3A_323 = tpu.vector_load %arg9[%swap3A_321, %swap3A_322] {strides = array<i32>} : memref<128x128xf32, #tpu.memory_space<vmem>>, vector<1x16xf32>,
        %swap3A_324 = vector.shape_cast %swap3A_323 : vector<1x16xf32> to vector<16xf32>
        %swap3A_325 = vector.shape_cast %mul3A_320 : vector<16xf32> to vector<1x16xf32>
        tpu.vector_store %arg9[%swap3A_321, %swap3A_322], %swap3A_325 {strides = array<i32>} : memref<128x128xf32, #tpu.memory_space<vmem>>, vector<1x16xf32>,
        %get3A_326 = arith.index_cast %add3A_313 : i32 to index
        %get3A_327 = arith.constant 16 : index
        %get3A_328 = tpu.vector_load %arg9[%get3A_326, %get3A_327] {strides = array<i32>} : memref<128x128xf32, #tpu.memory_space<vmem>>, vector<1x16xf32>,
        %get3A_329 = vector.shape_cast %get3A_328 : vector<1x16xf32> to vector<16xf32>
        %mul3A_330 = arith.constant 11.3137083 : f32
        %mul3A_331 = vector.broadcast %mul3A_330 : f32 to vector<16xf32>
        %mul3A_332 = arith.mulf %get3A_329, %mul3A_331 : vector<16xf32>
        %swap3A_333 = arith.index_cast %add3A_313 : i32 to index
        %swap3A_334 = arith.constant 16 : index
        %swap3A_335 = tpu.vector_load %arg9[%swap3A_333, %swap3A_334] {strides = array<i32>} : memref<128x128xf32, #tpu.memory_space<vmem>>, vector<1x16xf32>,
        %swap3A_336 = vector.shape_cast %swap3A_335 : vector<1x16xf32> to vector<16xf32>
        %swap3A_337 = vector.shape_cast %mul3A_332 : vector<16xf32> to vector<1x16xf32>
        tpu.vector_store %arg9[%swap3A_333, %swap3A_334], %swap3A_337 {strides = array<i32>} : memref<128x128xf32, #tpu.memory_space<vmem>>, vector<1x16xf32>,
        %get3A_338 = arith.index_cast %add3A_313 : i32 to index
        %get3A_339 = arith.constant 32 : index
        %get3A_340 = tpu.vector_load %arg9[%get3A_338, %get3A_339] {strides = array<i32>} : memref<128x128xf32, #tpu.memory_space<vmem>>, vector<1x16xf32>,
        %get3A_341 = vector.shape_cast %get3A_340 : vector<1x16xf32> to vector<16xf32>
        %mul3A_342 = arith.constant 11.3137083 : f32
        %mul3A_343 = vector.broadcast %mul3A_342 : f32 to vector<16xf32>
        %mul3A_344 = arith.mulf %get3A_341, %mul3A_343 : vector<16xf32>
        %swap3A_345 = arith.index_cast %add3A_313 : i32 to index
        %swap3A_346 = arith.constant 32 : index
        %swap3A_347 = tpu.vector_load %arg9[%swap3A_345, %swap3A_346] {strides = array<i32>} : memref<128x128xf32, #tpu.memory_space<vmem>>, vector<1x16xf32>,
        %swap3A_348 = vector.shape_cast %swap3A_347 : vector<1x16xf32> to vector<16xf32>
        %swap3A_349 = vector.shape_cast %mul3A_344 : vector<16xf32> to vector<1x16xf32>
        tpu.vector_store %arg9[%swap3A_345, %swap3A_346], %swap3A_349 {strides = array<i32>} : memref<128x128xf32, #tpu.memory_space<vmem>>, vector<1x16xf32>,
        %get3A_350 = arith.index_cast %add3A_313 : i32 to index
        %get3A_351 = arith.constant 48 : index
        %get3A_352 = tpu.vector_load %arg9[%get3A_350, %get3A_351] {strides = array<i32>} : memref<128x128xf32, #tpu.memory_space<vmem>>, vector<1x16xf32>,
        %get3A_353 = vector.shape_cast %get3A_352 : vector<1x16xf32> to vector<16xf32>
        %mul3A_354 = arith.constant 11.3137083 : f32
        %mul3A_355 = vector.broadcast %mul3A_354 : f32 to vector<16xf32>
        %mul3A_356 = arith.mulf %get3A_353, %mul3A_355 : vector<16xf32>
        %swap3A_357 = arith.index_cast %add3A_313 : i32 to index
        %swap3A_358 = arith.constant 48 : index
        %swap3A_359 = tpu.vector_load %arg9[%swap3A_357, %swap3A_358] {strides = array<i32>} : memref<128x128xf32, #tpu.memory_space<vmem>>, vector<1x16xf32>,
        %swap3A_360 = vector.shape_cast %swap3A_359 : vector<1x16xf32> to vector<16xf32>
        %swap3A_361 = vector.shape_cast %mul3A_356 : vector<16xf32> to vector<1x16xf32>
        tpu.vector_store %arg9[%swap3A_357, %swap3A_358], %swap3A_361 {strides = array<i32>} : memref<128x128xf32, #tpu.memory_space<vmem>>, vector<1x16xf32>,
        %get3A_362 = arith.index_cast %add3A_313 : i32 to index
        %get3A_363 = arith.constant 64 : index
        %get3A_364 = tpu.vector_load %arg9[%get3A_362, %get3A_363] {strides = array<i32>} : memref<128x128xf32, #tpu.memory_space<vmem>>, vector<1x16xf32>,
        %get3A_365 = vector.shape_cast %get3A_364 : vector<1x16xf32> to vector<16xf32>
        %mul3A_366 = arith.constant 11.3137083 : f32
        %mul3A_367 = vector.broadcast %mul3A_366 : f32 to vector<16xf32>
        %mul3A_368 = arith.mulf %get3A_365, %mul3A_367 : vector<16xf32>
        %swap3A_369 = arith.index_cast %add3A_313 : i32 to index
        %swap3A_370 = arith.constant 64 : index
        %swap3A_371 = tpu.vector_load %arg9[%swap3A_369, %swap3A_370] {strides = array<i32>} : memref<128x128xf32, #tpu.memory_space<vmem>>, vector<1x16xf32>,
        %swap3A_372 = vector.shape_cast %swap3A_371 : vector<1x16xf32> to vector<16xf32>
        %swap3A_373 = vector.shape_cast %mul3A_368 : vector<16xf32> to vector<1x16xf32>
        tpu.vector_store %arg9[%swap3A_369, %swap3A_370], %swap3A_373 {strides = array<i32>} : memref<128x128xf32, #tpu.memory_space<vmem>>, vector<1x16xf32>,
        %get3A_374 = arith.index_cast %add3A_313 : i32 to index
        %get3A_375 = arith.constant 80 : index
        %get3A_376 = tpu.vector_load %arg9[%get3A_374, %get3A_375] {strides = array<i32>} : memref<128x128xf32, #tpu.memory_space<vmem>>, vector<1x16xf32>,
        %get3A_377 = vector.shape_cast %get3A_376 : vector<1x16xf32> to vector<16xf32>
        %mul3A_378 = arith.constant 11.3137083 : f32
        %mul3A_379 = vector.broadcast %mul3A_378 : f32 to vector<16xf32>
        %mul3A_380 = arith.mulf %get3A_377, %mul3A_379 : vector<16xf32>
        %swap3A_381 = arith.index_cast %add3A_313 : i32 to index
        %swap3A_382 = arith.constant 80 : index
        %swap3A_383 = tpu.vector_load %arg9[%swap3A_381, %swap3A_382] {strides = array<i32>} : memref<128x128xf32, #tpu.memory_space<vmem>>, vector<1x16xf32>,
        %swap3A_384 = vector.shape_cast %swap3A_383 : vector<1x16xf32> to vector<16xf32>
        %swap3A_385 = vector.shape_cast %mul3A_380 : vector<16xf32> to vector<1x16xf32>
        tpu.vector_store %arg9[%swap3A_381, %swap3A_382], %swap3A_385 {strides = array<i32>} : memref<128x128xf32, #tpu.memory_space<vmem>>, vector<1x16xf32>,
        %get3A_386 = arith.index_cast %add3A_313 : i32 to index
        %get3A_387 = arith.constant 96 : index
        %get3A_388 = tpu.vector_load %arg9[%get3A_386, %get3A_387] {strides = array<i32>} : memref<128x128xf32, #tpu.memory_space<vmem>>, vector<1x16xf32>,
        %get3A_389 = vector.shape_cast %get3A_388 : vector<1x16xf32> to vector<16xf32>
        %mul3A_390 = arith.constant 11.3137083 : f32
        %mul3A_391 = vector.broadcast %mul3A_390 : f32 to vector<16xf32>
        %mul3A_392 = arith.mulf %get3A_389, %mul3A_391 : vector<16xf32>
        %swap3A_393 = arith.index_cast %add3A_313 : i32 to index
        %swap3A_394 = arith.constant 96 : index
        %swap3A_395 = tpu.vector_load %arg9[%swap3A_393, %swap3A_394] {strides = array<i32>} : memref<128x128xf32, #tpu.memory_space<vmem>>, vector<1x16xf32>,
        %swap3A_396 = vector.shape_cast %swap3A_395 : vector<1x16xf32> to vector<16xf32>
        %swap3A_397 = vector.shape_cast %mul3A_392 : vector<16xf32> to vector<1x16xf32>
        tpu.vector_store %arg9[%swap3A_393, %swap3A_394], %swap3A_397 {strides = array<i32>} : memref<128x128xf32, #tpu.memory_space<vmem>>, vector<1x16xf32>,
        %get3A_398 = arith.index_cast %add3A_313 : i32 to index
        %get3A_399 = arith.constant 112 : index
        %get3A_400 = tpu.vector_load %arg9[%get3A_398, %get3A_399] {strides = array<i32>} : memref<128x128xf32, #tpu.memory_space<vmem>>, vector<1x16xf32>,
        %get3A_401 = vector.shape_cast %get3A_400 : vector<1x16xf32> to vector<16xf32>
        %mul3A_402 = arith.constant 11.3137083 : f32
        %mul3A_403 = vector.broadcast %mul3A_402 : f32 to vector<16xf32>
        %mul3A_404 = arith.mulf %get3A_401, %mul3A_403 : vector<16xf32>
        %swap3A_405 = arith.index_cast %add3A_313 : i32 to index
        %swap3A_406 = arith.constant 112 : index
        %swap3A_407 = tpu.vector_load %arg9[%swap3A_405, %swap3A_406] {strides = array<i32>} : memref<128x128xf32, #tpu.memory_space<vmem>>, vector<1x16xf32>,
        %swap3A_408 = vector.shape_cast %swap3A_407 : vector<1x16xf32> to vector<16xf32>
        %swap3A_409 = vector.shape_cast %mul3A_404 : vector<16xf32> to vector<1x16xf32>
        tpu.vector_store %arg9[%swap3A_405, %swap3A_406], %swap3A_409 {strides = array<i32>} : memref<128x128xf32, #tpu.memory_space<vmem>>, vector<1x16xf32>,
      }
      %scan3A_165 = arith.constant 128 : i32
      %mul3A_166 = arith.constant 128 : i32
      %mul3A_167 = arith.muli %add3A_154, %mul3A_166 : i32
      %add3A_168 = arith.addi %mul3A_4, %mul3A_167 : i32
      %dma_start3A_169 = arith.constant 0 : i32
      %dma_start3A_170 = tpu.memref_slice %arg4[%add3A_168, %dma_start3A_169] : memref<819200x128xf32, #tpu.memory_space<hbm>> -> memref<128x128xf32, #tpu.memory_space<hbm>>
      %dma_start3A_171 = arith.constant 0 : i32
      %dma_start3A_172 = tpu.memref_slice %arg4[%add3A_168, %dma_start3A_171] : memref<819200x128xf32, #tpu.memory_space<hbm>> -> memref<128x128xf32, #tpu.memory_space<hbm>>
      tpu.enqueue_dma source(%arg9 : memref<128x128xf32, #tpu.memory_space<vmem>>) target(%dma_start3A_172 : memref<128x128xf32, #tpu.memory_space<hbm>>) target_semaphore(%arg19 : memref<!tpu.dma_semaphore, #tpu.memory_space<semaphore_mem>>)
      %add3A_173 = arith.constant 1 : i32
      %add3A_174 = arith.addi %add3A_66, %add3A_173 : i32
      %lt3A_175 = arith.constant 40 : i32
      %lt3A_176 = arith.cmpi slt, %add3A_174, %lt3A_175 : i32
      %convert_element_type3A_177 = arith.extui %lt3A_176 : i1 to i32
      %cond3A_178 = arith.constant 0 : i32
      %cond3A_179 = arith.cmpi ne, %convert_element_type3A_177, %cond3A_178 : i32
      scf.if %cond3A_179 {
        %dma_wait3A_209 = arith.constant 0 : i32
        %dma_wait3A_210 = tpu.memref_slice %arg4[%mul3A_4, %dma_wait3A_209] : memref<819200x128xf32, #tpu.memory_space<hbm>> -> memref<128x128xf32, #tpu.memory_space<hbm>>
        %dma_wait3A_211 = arith.constant 0 : i32
        %dma_wait3A_212 = tpu.memref_slice %arg4[%mul3A_4, %dma_wait3A_211] : memref<819200x128xf32, #tpu.memory_space<hbm>> -> memref<128x128xf32, #tpu.memory_space<hbm>>
        tpu.wait_dma2 semaphore(%arg19 : memref<!tpu.dma_semaphore, #tpu.memory_space<semaphore_mem>>) src(%arg9 : memref<128x128xf32, #tpu.memory_space<vmem>>) dst(%dma_wait3A_212 : memref<128x128xf32, #tpu.memory_space<hbm>>)
        %add3A_213 = arith.constant 5 : i32
        %add3A_214 = arith.addi %add3A_154, %add3A_213 : i32
        %dma_start3A_215 = arith.constant 0 : i32
        %dma_start3A_216 = tpu.memref_slice %arg5[%add3A_214, %dma_start3A_215] : memref<200x128xi32, #tpu.memory_space<vmem>> -> memref<1x128xi32, #tpu.memory_space<vmem>>
        %dma_start3A_217 = tpu.memref_squeeze %dma_start3A_216 : memref<1x128xi32, #tpu.memory_space<vmem>> -> memref<128xi32, #tpu.memory_space<vmem>>
        %dma_start3A_218 = arith.constant 0 : i32
        %dma_start3A_219 = arith.constant 0 : i32
        %dma_start3A_220 = tpu.memref_slice %arg3[%dma_start3A_218, %dma_start3A_219] : memref<100000x128xf32, #tpu.memory_space<hbm>> -> memref<100000x128xf32, #tpu.memory_space<hbm>>
        tpu.enqueue_indirect_dma source(%dma_start3A_220 : memref<100000x128xf32, #tpu.memory_space<hbm>>) target(%arg9 : memref<128x128xf32, #tpu.memory_space<vmem>>) offsets(%dma_start3A_217 : memref<128xi32, #tpu.memory_space<vmem>>) semaphore(%arg14 : memref<!tpu.dma_semaphore, #tpu.memory_space<semaphore_mem>>)
      } else {
      }
      %mul3A_180 = arith.constant 5 : i32
      %mul3A_181 = arith.muli %add3A_66, %mul3A_180 : i32
      %add3A_182 = arith.constant 4 : i32
      %add3A_183 = arith.addi %mul3A_181, %add3A_182 : i32
      %dma_wait3A_184 = arith.constant 0 : i32
      %dma_wait3A_185 = tpu.memref_slice %arg5[%add3A_183, %dma_wait3A_184] : memref<200x128xi32, #tpu.memory_space<vmem>> -> memref<1x128xi32, #tpu.memory_space<vmem>>
      %dma_wait3A_186 = tpu.memref_squeeze %dma_wait3A_185 : memref<1x128xi32, #tpu.memory_space<vmem>> -> memref<128xi32, #tpu.memory_space<vmem>>
      %dma_wait3A_187 = arith.constant 0 : i32
      %dma_wait3A_188 = arith.constant 0 : i32
      %dma_wait3A_189 = tpu.memref_slice %arg3[%dma_wait3A_187, %dma_wait3A_188] : memref<100000x128xf32, #tpu.memory_space<hbm>> -> memref<100000x128xf32, #tpu.memory_space<hbm>>
      tpu.wait_indirect_dma semaphore(%arg15 : memref<!tpu.dma_semaphore, #tpu.memory_space<semaphore_mem>>) src(%dma_wait3A_189 : memref<100000x128xf32, #tpu.memory_space<hbm>>) dst(%arg10 : memref<128x128xf32, #tpu.memory_space<vmem>>)
      %scan3A_190 = arith.constant 0 : i32
      %scan3A_191 = arith.constant 128 : i32
      %scan3A_192 = arith.addi %scan3A_190, %scan3A_191 : i32
      %scan3A_193 = arith.constant 2 : i32
      scf.for %scan3A_209 = %scan3A_190 to %scan3A_192 step %scan3A_193  : i32 {
        %mul3A_210 = arith.constant 1 : i32
        %mul3A_211 = arith.muli %scan3A_209, %mul3A_210 : i32
        %add3A_212 = arith.constant 0 : i32
        %add3A_213 = arith.addi %add3A_212, %mul3A_211 : i32
        %get3A = arith.index_cast %add3A_213 : i32 to index
        %get3A_214 = arith.constant 0 : index
        %get3A_215 = tpu.vector_load %arg10[%get3A, %get3A_214] {strides = array<i32>} : memref<128x128xf32, #tpu.memory_space<vmem>>, vector<1x16xf32>,
        %get3A_216 = vector.shape_cast %get3A_215 : vector<1x16xf32> to vector<16xf32>
        %mul3A_217 = arith.constant 11.3137083 : f32
        %mul3A_218 = vector.broadcast %mul3A_217 : f32 to vector<16xf32>
        %mul3A_219 = arith.mulf %get3A_216, %mul3A_218 : vector<16xf32>
        %swap3A = arith.index_cast %add3A_213 : i32 to index
        %swap3A_220 = arith.constant 0 : index
        %swap3A_221 = tpu.vector_load %arg10[%swap3A, %swap3A_220] {strides = array<i32>} : memref<128x128xf32, #tpu.memory_space<vmem>>, vector<1x16xf32>,
        %swap3A_222 = vector.shape_cast %swap3A_221 : vector<1x16xf32> to vector<16xf32>
        %swap3A_223 = vector.shape_cast %mul3A_219 : vector<16xf32> to vector<1x16xf32>
        tpu.vector_store %arg10[%swap3A, %swap3A_220], %swap3A_223 {strides = array<i32>} : memref<128x128xf32, #tpu.memory_space<vmem>>, vector<1x16xf32>,
        %get3A_224 = arith.index_cast %add3A_213 : i32 to index
        %get3A_225 = arith.constant 16 : index
        %get3A_226 = tpu.vector_load %arg10[%get3A_224, %get3A_225] {strides = array<i32>} : memref<128x128xf32, #tpu.memory_space<vmem>>, vector<1x16xf32>,
        %get3A_227 = vector.shape_cast %get3A_226 : vector<1x16xf32> to vector<16xf32>
        %mul3A_228 = arith.constant 11.3137083 : f32
        %mul3A_229 = vector.broadcast %mul3A_228 : f32 to vector<16xf32>
        %mul3A_230 = arith.mulf %get3A_227, %mul3A_229 : vector<16xf32>
        %swap3A_231 = arith.index_cast %add3A_213 : i32 to index
        %swap3A_232 = arith.constant 16 : index
        %swap3A_233 = tpu.vector_load %arg10[%swap3A_231, %swap3A_232] {strides = array<i32>} : memref<128x128xf32, #tpu.memory_space<vmem>>, vector<1x16xf32>,
        %swap3A_234 = vector.shape_cast %swap3A_233 : vector<1x16xf32> to vector<16xf32>
        %swap3A_235 = vector.shape_cast %mul3A_230 : vector<16xf32> to vector<1x16xf32>
        tpu.vector_store %arg10[%swap3A_231, %swap3A_232], %swap3A_235 {strides = array<i32>} : memref<128x128xf32, #tpu.memory_space<vmem>>, vector<1x16xf32>,
        %get3A_236 = arith.index_cast %add3A_213 : i32 to index
        %get3A_237 = arith.constant 32 : index
        %get3A_238 = tpu.vector_load %arg10[%get3A_236, %get3A_237] {strides = array<i32>} : memref<128x128xf32, #tpu.memory_space<vmem>>, vector<1x16xf32>,
        %get3A_239 = vector.shape_cast %get3A_238 : vector<1x16xf32> to vector<16xf32>
        %mul3A_240 = arith.constant 11.3137083 : f32
        %mul3A_241 = vector.broadcast %mul3A_240 : f32 to vector<16xf32>
        %mul3A_242 = arith.mulf %get3A_239, %mul3A_241 : vector<16xf32>
        %swap3A_243 = arith.index_cast %add3A_213 : i32 to index
        %swap3A_244 = arith.constant 32 : index
        %swap3A_245 = tpu.vector_load %arg10[%swap3A_243, %swap3A_244] {strides = array<i32>} : memref<128x128xf32, #tpu.memory_space<vmem>>, vector<1x16xf32>,
        %swap3A_246 = vector.shape_cast %swap3A_245 : vector<1x16xf32> to vector<16xf32>
        %swap3A_247 = vector.shape_cast %mul3A_242 : vector<16xf32> to vector<1x16xf32>
        tpu.vector_store %arg10[%swap3A_243, %swap3A_244], %swap3A_247 {strides = array<i32>} : memref<128x128xf32, #tpu.memory_space<vmem>>, vector<1x16xf32>,
        %get3A_248 = arith.index_cast %add3A_213 : i32 to index
        %get3A_249 = arith.constant 48 : index
        %get3A_250 = tpu.vector_load %arg10[%get3A_248, %get3A_249] {strides = array<i32>} : memref<128x128xf32, #tpu.memory_space<vmem>>, vector<1x16xf32>,
        %get3A_251 = vector.shape_cast %get3A_250 : vector<1x16xf32> to vector<16xf32>
        %mul3A_252 = arith.constant 11.3137083 : f32
        %mul3A_253 = vector.broadcast %mul3A_252 : f32 to vector<16xf32>
        %mul3A_254 = arith.mulf %get3A_251, %mul3A_253 : vector<16xf32>
        %swap3A_255 = arith.index_cast %add3A_213 : i32 to index
        %swap3A_256 = arith.constant 48 : index
        %swap3A_257 = tpu.vector_load %arg10[%swap3A_255, %swap3A_256] {strides = array<i32>} : memref<128x128xf32, #tpu.memory_space<vmem>>, vector<1x16xf32>,
        %swap3A_258 = vector.shape_cast %swap3A_257 : vector<1x16xf32> to vector<16xf32>
        %swap3A_259 = vector.shape_cast %mul3A_254 : vector<16xf32> to vector<1x16xf32>
        tpu.vector_store %arg10[%swap3A_255, %swap3A_256], %swap3A_259 {strides = array<i32>} : memref<128x128xf32, #tpu.memory_space<vmem>>, vector<1x16xf32>,
        %get3A_260 = arith.index_cast %add3A_213 : i32 to index
        %get3A_261 = arith.constant 64 : index
        %get3A_262 = tpu.vector_load %arg10[%get3A_260, %get3A_261] {strides = array<i32>} : memref<128x128xf32, #tpu.memory_space<vmem>>, vector<1x16xf32>,
        %get3A_263 = vector.shape_cast %get3A_262 : vector<1x16xf32> to vector<16xf32>
        %mul3A_264 = arith.constant 11.3137083 : f32
        %mul3A_265 = vector.broadcast %mul3A_264 : f32 to vector<16xf32>
        %mul3A_266 = arith.mulf %get3A_263, %mul3A_265 : vector<16xf32>
        %swap3A_267 = arith.index_cast %add3A_213 : i32 to index
        %swap3A_268 = arith.constant 64 : index
        %swap3A_269 = tpu.vector_load %arg10[%swap3A_267, %swap3A_268] {strides = array<i32>} : memref<128x128xf32, #tpu.memory_space<vmem>>, vector<1x16xf32>,
        %swap3A_270 = vector.shape_cast %swap3A_269 : vector<1x16xf32> to vector<16xf32>
        %swap3A_271 = vector.shape_cast %mul3A_266 : vector<16xf32> to vector<1x16xf32>
        tpu.vector_store %arg10[%swap3A_267, %swap3A_268], %swap3A_271 {strides = array<i32>} : memref<128x128xf32, #tpu.memory_space<vmem>>, vector<1x16xf32>,
        %get3A_272 = arith.index_cast %add3A_213 : i32 to index
        %get3A_273 = arith.constant 80 : index
        %get3A_274 = tpu.vector_load %arg10[%get3A_272, %get3A_273] {strides = array<i32>} : memref<128x128xf32, #tpu.memory_space<vmem>>, vector<1x16xf32>,
        %get3A_275 = vector.shape_cast %get3A_274 : vector<1x16xf32> to vector<16xf32>
        %mul3A_276 = arith.constant 11.3137083 : f32
        %mul3A_277 = vector.broadcast %mul3A_276 : f32 to vector<16xf32>
        %mul3A_278 = arith.mulf %get3A_275, %mul3A_277 : vector<16xf32>
        %swap3A_279 = arith.index_cast %add3A_213 : i32 to index
        %swap3A_280 = arith.constant 80 : index
        %swap3A_281 = tpu.vector_load %arg10[%swap3A_279, %swap3A_280] {strides = array<i32>} : memref<128x128xf32, #tpu.memory_space<vmem>>, vector<1x16xf32>,
        %swap3A_282 = vector.shape_cast %swap3A_281 : vector<1x16xf32> to vector<16xf32>
        %swap3A_283 = vector.shape_cast %mul3A_278 : vector<16xf32> to vector<1x16xf32>
        tpu.vector_store %arg10[%swap3A_279, %swap3A_280], %swap3A_283 {strides = array<i32>} : memref<128x128xf32, #tpu.memory_space<vmem>>, vector<1x16xf32>,
        %get3A_284 = arith.index_cast %add3A_213 : i32 to index
        %get3A_285 = arith.constant 96 : index
        %get3A_286 = tpu.vector_load %arg10[%get3A_284, %get3A_285] {strides = array<i32>} : memref<128x128xf32, #tpu.memory_space<vmem>>, vector<1x16xf32>,
        %get3A_287 = vector.shape_cast %get3A_286 : vector<1x16xf32> to vector<16xf32>
        %mul3A_288 = arith.constant 11.3137083 : f32
        %mul3A_289 = vector.broadcast %mul3A_288 : f32 to vector<16xf32>
        %mul3A_290 = arith.mulf %get3A_287, %mul3A_289 : vector<16xf32>
        %swap3A_291 = arith.index_cast %add3A_213 : i32 to index
        %swap3A_292 = arith.constant 96 : index
        %swap3A_293 = tpu.vector_load %arg10[%swap3A_291, %swap3A_292] {strides = array<i32>} : memref<128x128xf32, #tpu.memory_space<vmem>>, vector<1x16xf32>,
        %swap3A_294 = vector.shape_cast %swap3A_293 : vector<1x16xf32> to vector<16xf32>
        %swap3A_295 = vector.shape_cast %mul3A_290 : vector<16xf32> to vector<1x16xf32>
        tpu.vector_store %arg10[%swap3A_291, %swap3A_292], %swap3A_295 {strides = array<i32>} : memref<128x128xf32, #tpu.memory_space<vmem>>, vector<1x16xf32>,
        %get3A_296 = arith.index_cast %add3A_213 : i32 to index
        %get3A_297 = arith.constant 112 : index
        %get3A_298 = tpu.vector_load %arg10[%get3A_296, %get3A_297] {strides = array<i32>} : memref<128x128xf32, #tpu.memory_space<vmem>>, vector<1x16xf32>,
        %get3A_299 = vector.shape_cast %get3A_298 : vector<1x16xf32> to vector<16xf32>
        %mul3A_300 = arith.constant 11.3137083 : f32
        %mul3A_301 = vector.broadcast %mul3A_300 : f32 to vector<16xf32>
        %mul3A_302 = arith.mulf %get3A_299, %mul3A_301 : vector<16xf32>
        %swap3A_303 = arith.index_cast %add3A_213 : i32 to index
        %swap3A_304 = arith.constant 112 : index
        %swap3A_305 = tpu.vector_load %arg10[%swap3A_303, %swap3A_304] {strides = array<i32>} : memref<128x128xf32, #tpu.memory_space<vmem>>, vector<1x16xf32>,
        %swap3A_306 = vector.shape_cast %swap3A_305 : vector<1x16xf32> to vector<16xf32>
        %swap3A_307 = vector.shape_cast %mul3A_302 : vector<16xf32> to vector<1x16xf32>
        tpu.vector_store %arg10[%swap3A_303, %swap3A_304], %swap3A_307 {strides = array<i32>} : memref<128x128xf32, #tpu.memory_space<vmem>>, vector<1x16xf32>,
        %scan3A_308 = arith.constant 1 : i32
        %scan3A_309 = arith.addi %scan3A_209, %scan3A_308 : i32
        %mul3A_310 = arith.constant 1 : i32
        %mul3A_311 = arith.muli %scan3A_309, %mul3A_310 : i32
        %add3A_312 = arith.constant 0 : i32
        %add3A_313 = arith.addi %add3A_312, %mul3A_311 : i32
        %get3A_314 = arith.index_cast %add3A_313 : i32 to index
        %get3A_315 = arith.constant 0 : index
        %get3A_316 = tpu.vector_load %arg10[%get3A_314, %get3A_315] {strides = array<i32>} : memref<128x128xf32, #tpu.memory_space<vmem>>, vector<1x16xf32>,
        %get3A_317 = vector.shape_cast %get3A_316 : vector<1x16xf32> to vector<16xf32>
        %mul3A_318 = arith.constant 11.3137083 : f32
        %mul3A_319 = vector.broadcast %mul3A_318 : f32 to vector<16xf32>
        %mul3A_320 = arith.mulf %get3A_317, %mul3A_319 : vector<16xf32>
        %swap3A_321 = arith.index_cast %add3A_313 : i32 to index
        %swap3A_322 = arith.constant 0 : index
        %swap3A_323 = tpu.vector_load %arg10[%swap3A_321, %swap3A_322] {strides = array<i32>} : memref<128x128xf32, #tpu.memory_space<vmem>>, vector<1x16xf32>,
        %swap3A_324 = vector.shape_cast %swap3A_323 : vector<1x16xf32> to vector<16xf32>
        %swap3A_325 = vector.shape_cast %mul3A_320 : vector<16xf32> to vector<1x16xf32>
        tpu.vector_store %arg10[%swap3A_321, %swap3A_322], %swap3A_325 {strides = array<i32>} : memref<128x128xf32, #tpu.memory_space<vmem>>, vector<1x16xf32>,
        %get3A_326 = arith.index_cast %add3A_313 : i32 to index
        %get3A_327 = arith.constant 16 : index
        %get3A_328 = tpu.vector_load %arg10[%get3A_326, %get3A_327] {strides = array<i32>} : memref<128x128xf32, #tpu.memory_space<vmem>>, vector<1x16xf32>,
        %get3A_329 = vector.shape_cast %get3A_328 : vector<1x16xf32> to vector<16xf32>
        %mul3A_330 = arith.constant 11.3137083 : f32
        %mul3A_331 = vector.broadcast %mul3A_330 : f32 to vector<16xf32>
        %mul3A_332 = arith.mulf %get3A_329, %mul3A_331 : vector<16xf32>
        %swap3A_333 = arith.index_cast %add3A_313 : i32 to index
        %swap3A_334 = arith.constant 16 : index
        %swap3A_335 = tpu.vector_load %arg10[%swap3A_333, %swap3A_334] {strides = array<i32>} : memref<128x128xf32, #tpu.memory_space<vmem>>, vector<1x16xf32>,
        %swap3A_336 = vector.shape_cast %swap3A_335 : vector<1x16xf32> to vector<16xf32>
        %swap3A_337 = vector.shape_cast %mul3A_332 : vector<16xf32> to vector<1x16xf32>
        tpu.vector_store %arg10[%swap3A_333, %swap3A_334], %swap3A_337 {strides = array<i32>} : memref<128x128xf32, #tpu.memory_space<vmem>>, vector<1x16xf32>,
        %get3A_338 = arith.index_cast %add3A_313 : i32 to index
        %get3A_339 = arith.constant 32 : index
        %get3A_340 = tpu.vector_load %arg10[%get3A_338, %get3A_339] {strides = array<i32>} : memref<128x128xf32, #tpu.memory_space<vmem>>, vector<1x16xf32>,
        %get3A_341 = vector.shape_cast %get3A_340 : vector<1x16xf32> to vector<16xf32>
        %mul3A_342 = arith.constant 11.3137083 : f32
        %mul3A_343 = vector.broadcast %mul3A_342 : f32 to vector<16xf32>
        %mul3A_344 = arith.mulf %get3A_341, %mul3A_343 : vector<16xf32>
        %swap3A_345 = arith.index_cast %add3A_313 : i32 to index
        %swap3A_346 = arith.constant 32 : index
        %swap3A_347 = tpu.vector_load %arg10[%swap3A_345, %swap3A_346] {strides = array<i32>} : memref<128x128xf32, #tpu.memory_space<vmem>>, vector<1x16xf32>,
        %swap3A_348 = vector.shape_cast %swap3A_347 : vector<1x16xf32> to vector<16xf32>
        %swap3A_349 = vector.shape_cast %mul3A_344 : vector<16xf32> to vector<1x16xf32>
        tpu.vector_store %arg10[%swap3A_345, %swap3A_346], %swap3A_349 {strides = array<i32>} : memref<128x128xf32, #tpu.memory_space<vmem>>, vector<1x16xf32>,
        %get3A_350 = arith.index_cast %add3A_313 : i32 to index
        %get3A_351 = arith.constant 48 : index
        %get3A_352 = tpu.vector_load %arg10[%get3A_350, %get3A_351] {strides = array<i32>} : memref<128x128xf32, #tpu.memory_space<vmem>>, vector<1x16xf32>,
        %get3A_353 = vector.shape_cast %get3A_352 : vector<1x16xf32> to vector<16xf32>
        %mul3A_354 = arith.constant 11.3137083 : f32
        %mul3A_355 = vector.broadcast %mul3A_354 : f32 to vector<16xf32>
        %mul3A_356 = arith.mulf %get3A_353, %mul3A_355 : vector<16xf32>
        %swap3A_357 = arith.index_cast %add3A_313 : i32 to index
        %swap3A_358 = arith.constant 48 : index
        %swap3A_359 = tpu.vector_load %arg10[%swap3A_357, %swap3A_358] {strides = array<i32>} : memref<128x128xf32, #tpu.memory_space<vmem>>, vector<1x16xf32>,
        %swap3A_360 = vector.shape_cast %swap3A_359 : vector<1x16xf32> to vector<16xf32>
        %swap3A_361 = vector.shape_cast %mul3A_356 : vector<16xf32> to vector<1x16xf32>
        tpu.vector_store %arg10[%swap3A_357, %swap3A_358], %swap3A_361 {strides = array<i32>} : memref<128x128xf32, #tpu.memory_space<vmem>>, vector<1x16xf32>,
        %get3A_362 = arith.index_cast %add3A_313 : i32 to index
        %get3A_363 = arith.constant 64 : index
        %get3A_364 = tpu.vector_load %arg10[%get3A_362, %get3A_363] {strides = array<i32>} : memref<128x128xf32, #tpu.memory_space<vmem>>, vector<1x16xf32>,
        %get3A_365 = vector.shape_cast %get3A_364 : vector<1x16xf32> to vector<16xf32>
        %mul3A_366 = arith.constant 11.3137083 : f32
        %mul3A_367 = vector.broadcast %mul3A_366 : f32 to vector<16xf32>
        %mul3A_368 = arith.mulf %get3A_365, %mul3A_367 : vector<16xf32>
        %swap3A_369 = arith.index_cast %add3A_313 : i32 to index
        %swap3A_370 = arith.constant 64 : index
        %swap3A_371 = tpu.vector_load %arg10[%swap3A_369, %swap3A_370] {strides = array<i32>} : memref<128x128xf32, #tpu.memory_space<vmem>>, vector<1x16xf32>,
        %swap3A_372 = vector.shape_cast %swap3A_371 : vector<1x16xf32> to vector<16xf32>
        %swap3A_373 = vector.shape_cast %mul3A_368 : vector<16xf32> to vector<1x16xf32>
        tpu.vector_store %arg10[%swap3A_369, %swap3A_370], %swap3A_373 {strides = array<i32>} : memref<128x128xf32, #tpu.memory_space<vmem>>, vector<1x16xf32>,
        %get3A_374 = arith.index_cast %add3A_313 : i32 to index
        %get3A_375 = arith.constant 80 : index
        %get3A_376 = tpu.vector_load %arg10[%get3A_374, %get3A_375] {strides = array<i32>} : memref<128x128xf32, #tpu.memory_space<vmem>>, vector<1x16xf32>,
        %get3A_377 = vector.shape_cast %get3A_376 : vector<1x16xf32> to vector<16xf32>
        %mul3A_378 = arith.constant 11.3137083 : f32
        %mul3A_379 = vector.broadcast %mul3A_378 : f32 to vector<16xf32>
        %mul3A_380 = arith.mulf %get3A_377, %mul3A_379 : vector<16xf32>
        %swap3A_381 = arith.index_cast %add3A_313 : i32 to index
        %swap3A_382 = arith.constant 80 : index
        %swap3A_383 = tpu.vector_load %arg10[%swap3A_381, %swap3A_382] {strides = array<i32>} : memref<128x128xf32, #tpu.memory_space<vmem>>, vector<1x16xf32>,
        %swap3A_384 = vector.shape_cast %swap3A_383 : vector<1x16xf32> to vector<16xf32>
        %swap3A_385 = vector.shape_cast %mul3A_380 : vector<16xf32> to vector<1x16xf32>
        tpu.vector_store %arg10[%swap3A_381, %swap3A_382], %swap3A_385 {strides = array<i32>} : memref<128x128xf32, #tpu.memory_space<vmem>>, vector<1x16xf32>,
        %get3A_386 = arith.index_cast %add3A_313 : i32 to index
        %get3A_387 = arith.constant 96 : index
        %get3A_388 = tpu.vector_load %arg10[%get3A_386, %get3A_387] {strides = array<i32>} : memref<128x128xf32, #tpu.memory_space<vmem>>, vector<1x16xf32>,
        %get3A_389 = vector.shape_cast %get3A_388 : vector<1x16xf32> to vector<16xf32>
        %mul3A_390 = arith.constant 11.3137083 : f32
        %mul3A_391 = vector.broadcast %mul3A_390 : f32 to vector<16xf32>
        %mul3A_392 = arith.mulf %get3A_389, %mul3A_391 : vector<16xf32>
        %swap3A_393 = arith.index_cast %add3A_313 : i32 to index
        %swap3A_394 = arith.constant 96 : index
        %swap3A_395 = tpu.vector_load %arg10[%swap3A_393, %swap3A_394] {strides = array<i32>} : memref<128x128xf32, #tpu.memory_space<vmem>>, vector<1x16xf32>,
        %swap3A_396 = vector.shape_cast %swap3A_395 : vector<1x16xf32> to vector<16xf32>
        %swap3A_397 = vector.shape_cast %mul3A_392 : vector<16xf32> to vector<1x16xf32>
        tpu.vector_store %arg10[%swap3A_393, %swap3A_394], %swap3A_397 {strides = array<i32>} : memref<128x128xf32, #tpu.memory_space<vmem>>, vector<1x16xf32>,
        %get3A_398 = arith.index_cast %add3A_313 : i32 to index
        %get3A_399 = arith.constant 112 : index
        %get3A_400 = tpu.vector_load %arg10[%get3A_398, %get3A_399] {strides = array<i32>} : memref<128x128xf32, #tpu.memory_space<vmem>>, vector<1x16xf32>,
        %get3A_401 = vector.shape_cast %get3A_400 : vector<1x16xf32> to vector<16xf32>
        %mul3A_402 = arith.constant 11.3137083 : f32
        %mul3A_403 = vector.broadcast %mul3A_402 : f32 to vector<16xf32>
        %mul3A_404 = arith.mulf %get3A_401, %mul3A_403 : vector<16xf32>
        %swap3A_405 = arith.index_cast %add3A_313 : i32 to index
        %swap3A_406 = arith.constant 112 : index
        %swap3A_407 = tpu.vector_load %arg10[%swap3A_405, %swap3A_406] {strides = array<i32>} : memref<128x128xf32, #tpu.memory_space<vmem>>, vector<1x16xf32>,
        %swap3A_408 = vector.shape_cast %swap3A_407 : vector<1x16xf32> to vector<16xf32>
        %swap3A_409 = vector.shape_cast %mul3A_404 : vector<16xf32> to vector<1x16xf32>
        tpu.vector_store %arg10[%swap3A_405, %swap3A_406], %swap3A_409 {strides = array<i32>} : memref<128x128xf32, #tpu.memory_space<vmem>>, vector<1x16xf32>,
      }
      %scan3A_194 = arith.constant 128 : i32
      %mul3A_195 = arith.constant 128 : i32
      %mul3A_196 = arith.muli %add3A_183, %mul3A_195 : i32
      %add3A_197 = arith.addi %mul3A_4, %mul3A_196 : i32
      %dma_start3A_198 = arith.constant 0 : i32
      %dma_start3A_199 = tpu.memref_slice %arg4[%add3A_197, %dma_start3A_198] : memref<819200x128xf32, #tpu.memory_space<hbm>> -> memref<128x128xf32, #tpu.memory_space<hbm>>
      %dma_start3A_200 = arith.constant 0 : i32
      %dma_start3A_201 = tpu.memref_slice %arg4[%add3A_197, %dma_start3A_200] : memref<819200x128xf32, #tpu.memory_space<hbm>> -> memref<128x128xf32, #tpu.memory_space<hbm>>
      tpu.enqueue_dma source(%arg10 : memref<128x128xf32, #tpu.memory_space<vmem>>) target(%dma_start3A_201 : memref<128x128xf32, #tpu.memory_space<hbm>>) target_semaphore(%arg20 : memref<!tpu.dma_semaphore, #tpu.memory_space<semaphore_mem>>)
      %add3A_202 = arith.constant 1 : i32
      %add3A_203 = arith.addi %add3A_66, %add3A_202 : i32
      %lt3A_204 = arith.constant 40 : i32
      %lt3A_205 = arith.cmpi slt, %add3A_203, %lt3A_204 : i32
      %convert_element_type3A_206 = arith.extui %lt3A_205 : i1 to i32
      %cond3A_207 = arith.constant 0 : i32
      %cond3A_208 = arith.cmpi ne, %convert_element_type3A_206, %cond3A_207 : i32
      scf.if %cond3A_208 {
        %dma_wait3A_209 = arith.constant 0 : i32
        %dma_wait3A_210 = tpu.memref_slice %arg4[%mul3A_4, %dma_wait3A_209] : memref<819200x128xf32, #tpu.memory_space<hbm>> -> memref<128x128xf32, #tpu.memory_space<hbm>>
        %dma_wait3A_211 = arith.constant 0 : i32
        %dma_wait3A_212 = tpu.memref_slice %arg4[%mul3A_4, %dma_wait3A_211] : memref<819200x128xf32, #tpu.memory_space<hbm>> -> memref<128x128xf32, #tpu.memory_space<hbm>>
        tpu.wait_dma2 semaphore(%arg20 : memref<!tpu.dma_semaphore, #tpu.memory_space<semaphore_mem>>) src(%arg10 : memref<128x128xf32, #tpu.memory_space<vmem>>) dst(%dma_wait3A_212 : memref<128x128xf32, #tpu.memory_space<hbm>>)
        %add3A_213 = arith.constant 5 : i32
        %add3A_214 = arith.addi %add3A_183, %add3A_213 : i32
        %dma_start3A_215 = arith.constant 0 : i32
        %dma_start3A_216 = tpu.memref_slice %arg5[%add3A_214, %dma_start3A_215] : memref<200x128xi32, #tpu.memory_space<vmem>> -> memref<1x128xi32, #tpu.memory_space<vmem>>
        %dma_start3A_217 = tpu.memref_squeeze %dma_start3A_216 : memref<1x128xi32, #tpu.memory_space<vmem>> -> memref<128xi32, #tpu.memory_space<vmem>>
        %dma_start3A_218 = arith.constant 0 : i32
        %dma_start3A_219 = arith.constant 0 : i32
        %dma_start3A_220 = tpu.memref_slice %arg3[%dma_start3A_218, %dma_start3A_219] : memref<100000x128xf32, #tpu.memory_space<hbm>> -> memref<100000x128xf32, #tpu.memory_space<hbm>>
        tpu.enqueue_indirect_dma source(%dma_start3A_220 : memref<100000x128xf32, #tpu.memory_space<hbm>>) target(%arg10 : memref<128x128xf32, #tpu.memory_space<vmem>>) offsets(%dma_start3A_217 : memref<128xi32, #tpu.memory_space<vmem>>) semaphore(%arg15 : memref<!tpu.dma_semaphore, #tpu.memory_space<semaphore_mem>>)
      } else {
      }
    }
    %scan3A_42 = arith.constant 40 : i32
    %dma_wait3A = arith.constant 0 : i32
    %dma_wait3A_43 = tpu.memref_slice %arg4[%mul3A_4, %dma_wait3A] : memref<819200x128xf32, #tpu.memory_space<hbm>> -> memref<128x128xf32, #tpu.memory_space<hbm>>
    %dma_wait3A_44 = arith.constant 0 : i32
    %dma_wait3A_45 = tpu.memref_slice %arg4[%mul3A_4, %dma_wait3A_44] : memref<819200x128xf32, #tpu.memory_space<hbm>> -> memref<128x128xf32, #tpu.memory_space<hbm>>
    tpu.wait_dma2 semaphore(%arg16 : memref<!tpu.dma_semaphore, #tpu.memory_space<semaphore_mem>>) src(%arg6 : memref<128x128xf32, #tpu.memory_space<vmem>>) dst(%dma_wait3A_45 : memref<128x128xf32, #tpu.memory_space<hbm>>)
    %dma_wait3A_46 = arith.constant 0 : i32
    %dma_wait3A_47 = tpu.memref_slice %arg4[%mul3A_4, %dma_wait3A_46] : memref<819200x128xf32, #tpu.memory_space<hbm>> -> memref<128x128xf32, #tpu.memory_space<hbm>>
    %dma_wait3A_48 = arith.constant 0 : i32
    %dma_wait3A_49 = tpu.memref_slice %arg4[%mul3A_4, %dma_wait3A_48] : memref<819200x128xf32, #tpu.memory_space<hbm>> -> memref<128x128xf32, #tpu.memory_space<hbm>>
    tpu.wait_dma2 semaphore(%arg17 : memref<!tpu.dma_semaphore, #tpu.memory_space<semaphore_mem>>) src(%arg7 : memref<128x128xf32, #tpu.memory_space<vmem>>) dst(%dma_wait3A_49 : memref<128x128xf32, #tpu.memory_space<hbm>>)
    %dma_wait3A_50 = arith.constant 0 : i32
    %dma_wait3A_51 = tpu.memref_slice %arg4[%mul3A_4, %dma_wait3A_50] : memref<819200x128xf32, #tpu.memory_space<hbm>> -> memref<128x128xf32, #tpu.memory_space<hbm>>
    %dma_wait3A_52 = arith.constant 0 : i32
    %dma_wait3A_53 = tpu.memref_slice %arg4[%mul3A_4, %dma_wait3A_52] : memref<819200x128xf32, #tpu.memory_space<hbm>> -> memref<128x128xf32, #tpu.memory_space<hbm>>
    tpu.wait_dma2 semaphore(%arg18 : memref<!tpu.dma_semaphore, #tpu.memory_space<semaphore_mem>>) src(%arg8 : memref<128x128xf32, #tpu.memory_space<vmem>>) dst(%dma_wait3A_53 : memref<128x128xf32, #tpu.memory_space<hbm>>)
    %dma_wait3A_54 = arith.constant 0 : i32
    %dma_wait3A_55 = tpu.memref_slice %arg4[%mul3A_4, %dma_wait3A_54] : memref<819200x128xf32, #tpu.memory_space<hbm>> -> memref<128x128xf32, #tpu.memory_space<hbm>>
    %dma_wait3A_56 = arith.constant 0 : i32
    %dma_wait3A_57 = tpu.memref_slice %arg4[%mul3A_4, %dma_wait3A_56] : memref<819200x128xf32, #tpu.memory_space<hbm>> -> memref<128x128xf32, #tpu.memory_space<hbm>>
    tpu.wait_dma2 semaphore(%arg19 : memref<!tpu.dma_semaphore, #tpu.memory_space<semaphore_mem>>) src(%arg9 : memref<128x128xf32, #tpu.memory_space<vmem>>) dst(%dma_wait3A_57 : memref<128x128xf32, #tpu.memory_space<hbm>>)
    %dma_wait3A_58 = arith.constant 0 : i32
    %dma_wait3A_59 = tpu.memref_slice %arg4[%mul3A_4, %dma_wait3A_58] : memref<819200x128xf32, #tpu.memory_space<hbm>> -> memref<128x128xf32, #tpu.memory_space<hbm>>
    %dma_wait3A_60 = arith.constant 0 : i32
    %dma_wait3A_61 = tpu.memref_slice %arg4[%mul3A_4, %dma_wait3A_60] : memref<819200x128xf32, #tpu.memory_space<hbm>> -> memref<128x128xf32, #tpu.memory_space<hbm>>
    tpu.wait_dma2 semaphore(%arg20 : memref<!tpu.dma_semaphore, #tpu.memory_space<semaphore_mem>>) src(%arg10 : memref<128x128xf32, #tpu.memory_space<vmem>>) dst(%dma_wait3A_61 : memref<128x128xf32, #tpu.memory_space<hbm>>)
    return
  }
}

</mosaic_0001>

<sc_bundles>
// kernel: kernel.3.cloned.1.call-start
scs
__scs_entry_jumppad:
0x0: {  	(pc) =	sbr.rel $0x88, $3  }
0x1: {  	(tag) =	ssettag $0x0;
	lr =	simm.s32 $0x1  }
0x2: {  	[smem:$0x3F9F] =	sst lr;
	_ =	strace $0xD0000000  }
0x3: {  	_ = 	snop  }
0x4: {  	_ = 	snop  }
0x5: {  	_ = 	snop  }
0x6: {  	_ = 	snop  }
0x7: {  	_ = 	snop  }
__scs_overlays_trampoline_lowered:
0x8: {  	[smem:$0x3FAE] =	sst s0  }
0x9: {  	[smem:$0x3FAF] =	sst s1  }
0xa: {  	[smem:$0x3FB0] =	sst s2  }
0xb: {  	[smem:$0x3FB1] =	sst s3  }
0xc: {  	[smem:$0x3FB2] =	sst s4  }
0xd: {  	[smem:$0x3FB3] =	sst s5  }
0xe: {  	[smem:$0x3FB4] =	sst s6  }
0xf: {  	[smem:$0x3FB5] =	sst s7  }
0x10: {  	[smem:$0x3FB6] =	sst s8  }
0x11: {  	[smem:$0x3FB7] =	sst s9;
	s0 =	simm.s32 @!p0 $0x0  }
0x12: {  	s1 =	sld [smem:$0x3F9D];
	s0 =	simm.s32 @p0 $0x1  }
0x13: {  	[smem:$0x3FB8] =	sst s0;
	s0 =	simm.s32 @!p1 $0x0  }
0x14: {  	s2 =	sld [smem:$0x3F9C];
	s0 =	simm.s32 @p1 $0x1  }
0x15: {  	[smem:$0x3FB9] =	sst s0;
	s0 =	simm.s32 @!p2 $0x0  }
0x16: {  	s3 =	sld [smem:$0x3FDB];
	s0 =	simm.s32 @p2 $0x1  }
0x17: {  	s4 =	simm.s32 $0x1BF5;
	[smem:$0x3FBB] =	sst s0  }
0x18: {  	s0 =	sld [smem:$0x3F9E];
	_ =	swait.ge [sflag:s4], $0x0  }
0x19: {  	s7 =	sld [smem:$0x3F9F]  }
0x1a: {  	s8 =	sadd.s32 $0xFFFFE003, lr  }
0x1b: {  	s9 =	sadd.s32 $0xFFFFFEF7, lr;
	s5 =	simm.s32 $0xFFFFFFFF;
	p2 =	slt.u32 s8, $0xFFFFF086  }
0x1c: {  	p1 =	slt.u32 s9, $0xF7A;
	s5 =	simm.s32 @!p2 $0x0  }
0x1d: {  	s5 =	simm.s32 @p1 $0x1;
	p0 =	seq.s32 s7, s2  }
0x1e: {  	s7 =	smul.u32 @!p0 $0xF7A, s2;
	p2 =	seq.s32 @!p0 s5, $0x0  }
0x1f: {  	s9 =	smul.u32 $0xF7A, s1;
	s8 =	simm.s32 @!p0 $0x1BF5;
	p2 =	por !p2, p0  }
0x20: {  	[sflag:s8] =	ssyncset.s32 @!p0 $0xFFFFF086;
	s6 =	sadd.s32 @!p0 s3, s7;
	s7 =	simm.s32 @!p0 $0x108  }
0x21: {  	s3 =	sadd.s32 s3, s9;
	s6 =	sadd.s32 @!p0 $0x88, s6;
	s7 =	simm.s32 @p2 $0x1082  }
0x22: {  	[simem:s7], [sflag:s8] =	dma.local @!p0 [hbm:s6], $0xF7A  }
0x23: {  	s9 =	sor.u32 $0xD0000000, s2;
	s6 =	simm.s32 $0x108;
	_ =	swait.ge @!p0 [sflag:s8], $0x0  }
0x24: {  	s3 =	sadd.s32 $0x88, s3;
	s6 =	simm.s32 @!p1 $0x1082;
	[sflag:s4] =	ssyncset.s32 $0xFFFFF086  }
0x25: {  	[simem:s6], [sflag:s4] =	dma.local [hbm:s3], $0xF7A  }
0x26: {  	[smem:$0x3F9F] =	sst s1;
	(tag) =	ssettag s2;
	_ =	strace s9  }
0x27: {  	s1 =	sld [smem:$0x3FAF]  }
0x28: {  	s2 =	sld [smem:$0x3FB0]  }
0x29: {  	s4 =	sld [smem:$0x3FB2]  }
0x2a: {  	p0 =	seq.s32 s5, $0x0;
	s5 =	sld [smem:$0x3FB3]  }
0x2b: {  	s6 =	sld [smem:$0x3FB4]  }
0x2c: {  	s7 =	sld [smem:$0x3FB5]  }
0x2d: {  	s3 =	simm.s32 $0x108;
	s8 =	sld [smem:$0x3FB6]  }
0x2e: {  	s3 =	simm.s32 @!p0 $0x1082;
	s9 =	sld [smem:$0x3FB7]  }
0x2f: {  	lr =	sadd.s32 s0, s3;
	s0 =	sld [smem:$0x3FAE]  }
0x30: {  	s3 =	sld [smem:$0x3FB1]  }
0x31: {  	[smem:$0x3FBA] =	sst s10  }
0x32: {  	s10 =	sld [smem:$0x3FB8];
	_ =	sdelay $0x3  }
0x33: {  	p0 =	seq.s32 s10, $0x1;
	s10 =	sld [smem:$0x3FBA];
	_ =	sdelay $0x3  }
0x34: {  	[smem:$0x3FBA] =	sst s10  }
0x35: {  	s10 =	sld [smem:$0x3FB9];
	_ =	sdelay $0x3  }
0x36: {  	p1 =	seq.s32 s10, $0x1;
	s10 =	sld [smem:$0x3FBA];
	_ =	sdelay $0x3  }
0x37: {  	[smem:$0x3FBA] =	sst s10  }
0x38: {  	s10 =	sld [smem:$0x3FBB]  }
0x39: {  	_ = 	snop;
	(pc) =	sbr.ind lr, $3  }
0x3a: {  	_ = 	snop  }
0x3b: {  	_ = 	snop  }
0x3c: {  	p2 =	seq.s32 s10, $0x1;
	s10 =	sld [smem:$0x3FBA]  }
0x3d: {  	_ =	shalt  }
0x3e: {  	_ =	shalt  }
0x3f: {  	_ =	shalt  }
0x40: {  	_ =	shalt  }
0x41: {  	_ =	shalt  }
0x42: {  	_ =	shalt  }
0x43: {  	_ =	shalt  }
0x44: {  	_ =	shalt  }
0x45: {  	_ =	shalt  }
0x46: {  	_ =	shalt  }
0x47: {  	_ =	shalt  }
0x48: {  	_ =	shalt  }
0x49: {  	_ =	shalt  }
0x4a: {  	_ =	shalt  }
0x4b: {  	_ =	shalt  }
0x4c: {  	_ =	shalt  }
0x4d: {  	_ =	shalt  }
0x4e: {  	_ =	shalt  }
0x4f: {  	_ =	shalt  }
0x50: {  	_ =	shalt  }
0x51: {  	_ =	shalt  }
0x52: {  	_ =	shalt  }
0x53: {  	_ =	shalt  }
0x54: {  	_ =	shalt  }
0x55: {  	_ =	shalt  }
0x56: {  	_ =	shalt  }
0x57: {  	_ =	shalt  }
0x58: {  	_ =	shalt  }
0x59: {  	_ =	shalt  }
0x5a: {  	_ =	shalt  }
0x5b: {  	_ =	shalt  }
0x5c: {  	_ =	shalt  }
0x5d: {  	_ =	shalt  }
0x5e: {  	_ =	shalt  }
0x5f: {  	_ =	shalt  }
0x60: {  	_ =	shalt  }
0x61: {  	_ =	shalt  }
0x62: {  	_ =	shalt  }
0x63: {  	_ =	shalt  }
0x64: {  	_ =	shalt  }
0x65: {  	_ =	shalt  }
0x66: {  	_ =	shalt  }
0x67: {  	_ =	shalt  }
0x68: {  	_ =	shalt  }
0x69: {  	_ =	shalt  }
0x6a: {  	_ =	shalt  }
0x6b: {  	_ =	shalt  }
0x6c: {  	_ =	shalt  }
0x6d: {  	_ =	shalt  }
0x6e: {  	_ =	shalt  }
0x6f: {  	_ =	shalt  }
0x70: {  	_ =	shalt  }
0x71: {  	_ =	shalt  }
0x72: {  	_ =	shalt  }
0x73: {  	_ =	shalt  }
0x74: {  	_ =	shalt  }
0x75: {  	_ =	shalt  }
0x76: {  	_ =	shalt  }
0x77: {  	_ =	shalt  }
0x78: {  	_ =	shalt  }
0x79: {  	_ =	shalt  }
0x7a: {  	_ =	shalt  }
0x7b: {  	_ =	shalt  }
0x7c: {  	_ =	shalt  }
0x7d: {  	_ =	shalt  }
0x7e: {  	_ =	shalt  }
0x7f: {  	_ =	shalt  }
0x80: {  	_ =	shalt  }
0x81: {  	_ =	shalt  }
0x82: {  	_ =	shalt  }
0x83: {  	_ =	shalt  }
0x84: {  	_ =	shalt  }
0x85: {  	_ =	shalt  }
0x86: {  	_ =	shalt  }
0x87: {  	_ =	shalt  }
.Lfunc_end0:
.L_simem_size_0:
called_computation_lowered:
.L_overlay_start_0:
0x88: {  	s2 =	sld [smem:$0x3FD9]  }
0x89: {  	s3 =	sld [smem:$0x3FFE];
	_ =	sdelay $0x1  }
0x8a: {  	s1 =	srdreg.scid  }
0x8b: {  	s0 =	sand.u32 $0x1, s1  }
0x8c: {  	s17 =	sshll.u32 s0, $0xA;
	s2 =	sadd.s32 s3, s2  }
0x8d: {  	s2 =	sadd.s32 s2, s17  }
0x8e: {  	[smem:$0x3FC6] =	sst s2  }
0x8f: {  	_ = 	snop  }
0x90: {  	s2 =	sld [smem:$0x3FC8]  }
0x91: {  	s18 =	sld [smem:$0x3FD0];
	(tm) =	ssettm $0x1  }
0x92: {  	s4 =	sld [smem:$0x3FFB];
	_ =	sdelay $0x3  }
0x93: {  	_ =	strace s4  }
0x94: {  	s4 =	sld [smem:$0x3FFC];
	_ =	sdelay $0x3  }
0x95: {  	_ =	strace s4  }
0x96: {  	s4 =	sld [smem:$0x3FFD];
	_ =	sdelay $0x3  }
0x97: {  	_ =	strace s4  }
0x98: {  	_ =	strace $0x8FFFFFFF  }
0x99: {  	s19 =	sld [smem:$0x3FDB];
	_ =	sdelay $0x1  }
0x9a: {  	s5 =	simm.s32 $_scs_section_size  }
0x9b: {  	s6 =	simm.s32 $_size__tile_overlayer_lowered;
	s7 =	simm.s32 $_tile_overlayer_lowered  }
0x9c: {  	s22 =	simm.s32 $0x1BFF;
	s21 =	sshll.u32 s7, $0x1;
	s4 =	sadd.s32 s5, s19  }
0x9d: {  	s8 =	simm.s32 $0x0;
	s20 =	sshll.u32 s6, $0x1;
	s6 =	sadd.s32 s21, s4  }
0x9e: {  	[timem:s8], [sflag:s22] =	dma.local [hbm:s6], s20  }
0x9f: {  	_ =	swait.ge [sflag:s22], s20  }
0xa0: {  	s5 =	ssub.s32 $0x0, s20;
	[sflag:s22] =	ssyncset.done $0x0  }
0xa1: {  	[sflag:s22] =	ssyncadd.s32 s5;
	_ =	sdelay $0x1  }
0xa2: {  	s23 =	simm.s32 $0x1B8B  }
0xa3: {  	_ =	swait.ge [sflag:s23], $0x1  }
0xa4: {  	[sflag:s23] =	ssyncset.done $0x0  }
0xa5: {  	s25 =	simm.s32 $0x1B8E;
	s24 =	sld [smem:$0x3FFE];
	[sflag:s23] =	ssyncadd.s32 $0xFFFFFFFF  }
0xa6: {  	s26 =	simm.s32 $execute0_lowered;
	[smem:$0x3FD2] =	sst s25  }
0xa7: {  	s6 =	sshll.u32 s26, $0x1;
	_ =	strace $0x80000046;
	[dreg:$0x1] =	wrdreg $0xFFFFFFFF  }
0xa8: {  	s28 =	simm.s32 $_size_execute0_lowered;
	s4 =	sadd.s32 s4, s6;
	[dreg:$0x0] =	wrdreg $0x0  }
0xa9: {  	s6 =	sshll.u32 s28, $0x1;
	[dreg:$0x2] =	wrdreg s4  }
0xaa: {  	[dreg:$0x3] =	wrdreg s6  }
0xab: {  	[dreg:$0x4] =	wrdreg $0xC0  }
0xac: {  	_ =	task [dreg:s8], $0x5FFFF  }
0xad: {  	[dreg:$0x1] =	wrdreg $0xFFFFFFFF  }
0xae: {  	[dreg:$0x0] =	wrdreg $0x60  }
0xaf: {  	[dreg:$0x2] =	wrdreg s24  }
0xb0: {  	[dreg:$0x3] =	wrdreg s2  }
0xb1: {  	[dreg:$0x4] =	wrdreg s18  }
0xb2: {  	[dreg:$0x5] =	wrdreg $0x9  }
0xb3: {  	_ =	task.clear_ibuf [dreg:s8], $0x6FFFF;
	_ =	strace $0x90000046  }
0xb4: {  	s29 =	simm.s32 $0x9;
	_ =	strace $0x80000048  }
0xb5: {  	_ =	swait.ge [sflag:s29], $0x1  }
0xb6: {  	[sflag:s29] =	ssyncadd.s32 $0xFFFFFFFF  }
0xb7: {  	_ =	strace $0x90000048  }
0xb8: {  	_ =	sfence  }
0xb9: {  	s30 =	sld [smem:$0x0];
	_ =	sdelay $0x2  }
0xba: {  	s31 =	sshll.u32 s1, $0xD;
	s1 =	sshrl.u32 s1, $0x2  }
0xbb: {  	s3 =	sand.u32 $0x4000, s31;
	s1 =	sadd.s32 s1, s30  }
0xbc: {  	s0 =	sor.u32 s3, s0;
	s1 =	sshll.u32 s1, $0x11  }
0xbd: {  	s0 =	sor.u32 s1, s0  }
0xbe: {  	s0 =	sadd.s32 $0x8F2B, s0  }
0xbf: {  	[sflag:s0] =	ssyncadd.remote.s32 $0x1  }
0xc0: {  	_ =	sfence.sel $0xFFFF  }
0xc1: {  	[dreg:$0x0] =	wrdreg $0xFFFFFFFF;
	(pc) =	sbr.abs _section_cstart, $3  }
0xc2: {  	[dreg:$0x1] =	wrdreg $0xFFFFFFFF  }
0xc3: {  	_ =	task.clear_ibuf [dreg:s8], $0x2FFFF;
	_ =	strace $0x9FFFFFFF  }
0xc4: {  	(tm) =	ssettm $0x7FFFFFFF  }
0xc5: {  	_ =	shalt  }
tec
execute0_lowered:
.L_overlay_start_1:
0x0: {  	(tag) =	ssettag $0x1  }
0x1: {  	s0 =	rddreg [dreg:$0x0]  }
0x2: {  	s2 =	rddreg [dreg:$0x1];
	s1 =	srdreg.scid  }
0x3: {  	s4 =	stileid.u32;
	s3 =	rddreg [dreg:$0x2];
	s13 =	simm.s32 $0x80  }
0x4: {  	s14 =	simm.s32 $0x6400;
	s15 =	simm.s32 $0xA400;
	s17 =	simm.s32 $0xE400  }
0x5: {  	s19 =	simm.s32 $0x12400;
	s21 =	simm.s32 $0x16400;
	s22 =	simm.s32 $0x1  }
0x6: {  	s23 =	simm.s32 $0x2;
	s24 =	simm.s32 $0x3;
	s25 =	simm.s32 $0x4  }
0x7: {  	s28 =	simm.s32 $0x6;
	s1 =	sand.u32 $0x1, s1;
	s4 =	sshll.u32 s4, $0x1  }
0x8: {  	s29 =	simm.s32 $0x7;
	s30 =	simm.s32 $0x8;
	s5 =	sor.u32 s1, s4  }
0x9: {  	s4 =	simm.s32 $0x0;
	s1 =	ssub.s32 $0x2, s1;
	s6 =	smul.u32 $0xC80, s5  }
0xa: {  	[smem:$0x7FF] =	sst s4;
	s7 =	sshrl.u32 s1, $0x1;
	s5 =	smul.u32 $0x6400, s5  }
0xb: {  	s31 =	simm.s32 $0x9;
	_ =	strace $0x80000047;
	s1 =	ssub.s32 s1, s7  }
0xc: {  	s0 =	sadd.s32 s6, s0;
	s7 =	sor.u32 $0x80, s5;
	s8 =	sor.u32 $0x100, s5  }
0xd: {  	s9 =	sor.u32 $0x180, s5;
	s10 =	sor.u32 $0x200, s5;
	s26 =	smax.u32 s1, $0x1  }
0xe: {  	s1 =	simm.s32 $0xA;
	s0 =	sadd.s32 $0x400, s0;
	[dreg:$0x5] =	wrdreg s26  }
0xf: {  	s26 =	simm.s32 $0x5;
	[dreg:$0x4] =	wrdreg s0;
	s0 =	simm.s32 $0x0  }
.LBB2_1:
0x10: {  	s6 =	rddreg [dreg:$0x4];
	s12 =	simm.s32 $0xB  }
0x11: {  	[tilespmem:s4], [sflag:$0xB] =	stream.linear.gather [hbm4b:s6+s4], $0x6400, $0x38;
	[tilespmem:$0x1A400] =	vst v63  }
0x12: {  	_ =	swait.ge [sflag:s12], $0x6400  }
0x13: {  	[sflag:s12] =	ssyncset.done $0x0  }
0x14: {  	[sflag:s12] =	ssyncadd.s32 $0xFFFF9C00  }
0x15: {  	[tilespmem:s14], [sflag:$0x1] =	stream.indirect.gather [hbm4b:s2+s13], $0x80, s4, s13, $0xb8;
	[tilespmem:$0x1A400] =	vst v63  }
0x16: {  	_ = 	snop  }
0x17: {  	[tilespmem:s15], [sflag:$0x2] =	stream.indirect.gather [hbm4b:s2+s13], $0x80, s13, s13, $0xb8;
	[tilespmem:$0x1A400] =	vst v63  }
0x18: {  	s16 =	simm.s32 $0x100  }
0x19: {  	[tilespmem:s17], [sflag:$0x3] =	stream.indirect.gather [hbm4b:s2+s13], $0x80, s16, s13, $0xb8;
	[tilespmem:$0x1A400] =	vst v63  }
0x1a: {  	s18 =	simm.s32 $0x180  }
0x1b: {  	[tilespmem:s19], [sflag:$0x4] =	stream.indirect.gather [hbm4b:s2+s13], $0x80, s18, s13, $0xb8;
	[tilespmem:$0x1A400] =	vst v63  }
0x1c: {  	s20 =	simm.s32 $0x200  }
0x1d: {  	[tilespmem:s21], [sflag:$0x5] =	stream.indirect.gather [hbm4b:s2+s13], $0x80, s20, s13, $0xb8;
	[tilespmem:$0x1A400] =	vst v63  }
0x1e: {  	s20 =	simm.s32 $0x0  }
.LBB2_2:
0x1f: {  	_ =	swait.ge [sflag:s22], $0x4000  }
0x20: {  	[sflag:s22] =	ssyncset.done $0x0  }
0x21: {  	s18 =	simm.s32 $0x6480;
	[sflag:s22] =	ssyncadd.s32 $0xFFFFC000  }
0x22: {  	v0 =	vld [tilespmem:s18+$0xFFFFFF80]  }
0x23: {  	v1 =	vld [tilespmem:s18+$0xFFFFFF90]  }
0x24: {  	v2 =	vld [tilespmem:s18+$0xFFFFFFA0]  }
0x25: {  	v3 =	vld [tilespmem:s18+$0xFFFFFFB0]  }
0x26: {  	v4 =	vld [tilespmem:s18+$0xFFFFFFC0]  }
0x27: {  	v5 =	vld [tilespmem:s18+$0xFFFFFFD0];
	v0 =	vmul.f32 $1.131370830e+01, v0  }
0x28: {  	v6 =	vld [tilespmem:s18+$0xFFFFFFE0];
	v1 =	vmul.f32 $1.131370830e+01, v1  }
0x29: {  	[tilespmem:s18+$0xFFFFFF80] =	vst v0;
	v0 =	vmul.f32 $1.131370830e+01, v2;
	v2 =	vld [tilespmem:s18+$0x0]  }
0x2a: {  	[tilespmem:s18+$0xFFFFFF90] =	vst v1;
	v1 =	vmul.f32 $1.131370830e+01, v3;
	v3 =	vld [tilespmem:s18+$0x10]  }
0x2b: {  	[tilespmem:s18+$0xFFFFFFA0] =	vst v0;
	v0 =	vmul.f32 $1.131370830e+01, v4;
	v4 =	vld [tilespmem:s18+$0x20]  }
0x2c: {  	v7 =	vld [tilespmem:s18+$0x30];
	[tilespmem:s18+$0xFFFFFFB0] =	vst v1;
	v1 =	vmul.f32 $1.131370830e+01, v5  }
0x2d: {  	v5 =	vmul.f32 $1.131370830e+01, v6;
	[tilespmem:s18+$0xFFFFFFC0] =	vst v0;
	v0 =	vld [tilespmem:s18+$0x40]  }
0x2e: {  	[tilespmem:s18+$0xFFFFFFD0] =	vst v1;
	v1 =	vmul.f32 $1.131370830e+01, v2;
	v2 =	vld [tilespmem:s18+$0x50]  }
0x2f: {  	[tilespmem:s18+$0xFFFFFFE0] =	vst v5;
	v6 =	vmul.f32 $1.131370830e+01, v3;
	v3 =	vld [tilespmem:s18+$0x60]  }
0x30: {  	[tilespmem:s18+$0x0] =	vst v1;
	v5 =	vmul.f32 $1.131370830e+01, v4;
	v4 =	vld [tilespmem:s18+$0x70]  }
0x31: {  	s6 =	simm.s32 $0x0;
	s11 =	simm.s32 $0x6580;
	v1 =	vld [tilespmem:s18+$0xFFFFFFF0];
	[tilespmem:s18+$0x10] =	vst v6;
	v6 =	vmul.f32 $1.131370830e+01, v7  }
.LBB2_3:
0x32: {  	v7 =	vld [tilespmem:s11+$0xFFFFFF80];
	[tilespmem:s18+$0x20] =	vst v5;
	v0 =	vmul.f32 $1.131370830e+01, v0  }
0x33: {  	v5 =	vld [tilespmem:s11+$0xFFFFFF90];
	[tilespmem:s18+$0x30] =	vst v6;
	v2 =	vmul.f32 $1.131370830e+01, v2  }
0x34: {  	v6 =	vld [tilespmem:s11+$0xFFFFFFA0];
	[tilespmem:s18+$0x40] =	vst v0;
	v0 =	vmul.f32 $1.131370830e+01, v3  }
0x35: {  	v3 =	vld [tilespmem:s11+$0xFFFFFFB0];
	[tilespmem:s18+$0x50] =	vst v2;
	v2 =	vmul.f32 $1.131370830e+01, v4  }
0x36: {  	v4 =	vld [tilespmem:s11+$0xFFFFFFC0];
	v1 =	vmul.f32 $1.131370830e+01, v1;
	[tilespmem:s18+$0x60] =	vst v0  }
0x37: {  	v0 =	vmul.f32 $1.131370830e+01, v7;
	v7 =	vld [tilespmem:s11+$0xFFFFFFD0];
	[tilespmem:s18+$0x70] =	vst v2  }
0x38: {  	v2 =	vmul.f32 $1.131370830e+01, v5;
	v5 =	vld [tilespmem:s11+$0xFFFFFFE0];
	[tilespmem:s18+$0xFFFFFFF0] =	vst v1;
	s18 =	smov.u32 s11  }
0x39: {  	[tilespmem:s11+$0xFFFFFF80] =	vst v0;
	v0 =	vmul.f32 $1.131370830e+01, v6;
	v1 =	vld [tilespmem:s11+$0x0]  }
0x3a: {  	[tilespmem:s11+$0xFFFFFF90] =	vst v2;
	v2 =	vmul.f32 $1.131370830e+01, v3;
	v3 =	vld [tilespmem:s11+$0x10]  }
0x3b: {  	s6 =	sadd.s32 $0x2, s6;
	[tilespmem:s11+$0xFFFFFFA0] =	vst v0;
	v0 =	vmul.f32 $1.131370830e+01, v4;
	v4 =	vld [tilespmem:s11+$0x20]  }
0x3c: {  	p0 =	slt.u32 s6, $0x7E;
	[tilespmem:s11+$0xFFFFFFB0] =	vst v2;
	v2 =	vmul.f32 $1.131370830e+01, v7;
	v6 =	vld [tilespmem:s11+$0x30]  }
.Ltmp0:
0x3d: {  	[tilespmem:s11+$0xFFFFFFC0] =	vst v0;
	v5 =	vmul.f32 $1.131370830e+01, v5;
	v0 =	vld [tilespmem:s11+$0x40];
	(pc) =	sbr.rel @p0 .LBB2_3-.Ltmp0, $4  }
0x3e: {  	[tilespmem:s11+$0xFFFFFFD0] =	vst v2;
	v1 =	vmul.f32 $1.131370830e+01, v1;
	v2 =	vld [tilespmem:s11+$0x50]  }
0x3f: {  	[tilespmem:s11+$0xFFFFFFE0] =	vst v5;
	v7 =	vmul.f32 $1.131370830e+01, v3;
	v3 =	vld [tilespmem:s11+$0x60]  }
0x40: {  	[tilespmem:s11+$0x0] =	vst v1;
	v5 =	vmul.f32 $1.131370830e+01, v4;
	v4 =	vld [tilespmem:s11+$0x70]  }
0x41: {  	s11 =	sadd.s32 $0x100, s11;
	v1 =	vld [tilespmem:s18+$0xFFFFFFF0];
	[tilespmem:s18+$0x10] =	vst v7;
	v6 =	vmul.f32 $1.131370830e+01, v6  }
0x42: {  	[tilespmem:s18+$0x20] =	vst v5;
	v0 =	vmul.f32 $1.131370830e+01, v0  }
0x43: {  	[tilespmem:s18+$0x30] =	vst v6;
	v2 =	vmul.f32 $1.131370830e+01, v2  }
0x44: {  	s16 =	smul.u32 $0x280, s20;
	[tilespmem:s18+$0x40] =	vst v0;
	v0 =	vmul.f32 $1.131370830e+01, v3  }
0x45: {  	[tilespmem:s18+$0x50] =	vst v2;
	v2 =	vmul.f32 $1.131370830e+01, v4  }
0x46: {  	s6 =	sadd.s32 s5, s16;
	v1 =	vmul.f32 $1.131370830e+01, v1;
	[tilespmem:s18+$0x60] =	vst v0  }
0x47: {  	s6 =	sshll.u32 s6, $0x4;
	[tilespmem:s18+$0x70] =	vst v2  }
0x48: {  	p0 =	seq.s32 s20, $0x27;
	s6 =	sadd.s32 s3, s6;
	[tilespmem:s18+$0xFFFFFFF0] =	vst v1  }
0x49: {  	[hbm4b:s6+s4] =	stream.linear.scatter [tilespmem:s14], [sflag:$0x6], $0x4000, $0x38;
	[tilespmem:$0x1A400] =	vst v63  }
0x4a: {  	s11 =	smul.u32 @!p0 $0xA00, s20;
	s6 =	simm.s32 @!p0 $0x6  }
0x4b: {  	_ =	swait.ge @!p0 [sflag:s6], $0x4000  }
0x4c: {  	s12 =	simm.s32 @!p0 $0x6400;
	s18 =	sshra.s32 @!p0 s11, $0x2;
	[sflag:s6] =	ssyncset.done @!p0 $0x0  }
0x4d: {  	s11 =	simm.s32 @!p0 $0x80;
	[sflag:s6] =	ssyncadd.s32 @!p0 $0xFFFFC000;
	s6 =	sadd.s32 @!p0 $0x280, s18  }
0x4e: {  	[tilespmem:s12], [sflag:$0x1] =	stream.indirect.gather @!p0 [hbm4b:s2+s11], $0x80, s6, s11, $0xb8;
	[tilespmem:$0x1A400] =	vst v63  }
0x4f: {  	_ =	swait.ge [sflag:s23], $0x4000  }
0x50: {  	[sflag:s23] =	ssyncset.done $0x0  }
0x51: {  	s6 =	simm.s32 $0xA480;
	[sflag:s23] =	ssyncadd.s32 $0xFFFFC000  }
0x52: {  	v0 =	vld [tilespmem:s6+$0xFFFFFF80]  }
0x53: {  	v1 =	vld [tilespmem:s6+$0xFFFFFF90]  }
0x54: {  	v2 =	vld [tilespmem:s6+$0xFFFFFFA0]  }
0x55: {  	v3 =	vld [tilespmem:s6+$0xFFFFFFB0]  }
0x56: {  	v4 =	vld [tilespmem:s6+$0xFFFFFFC0]  }
0x57: {  	v5 =	vld [tilespmem:s6+$0xFFFFFFD0];
	v0 =	vmul.f32 $1.131370830e+01, v0  }
0x58: {  	v6 =	vld [tilespmem:s6+$0xFFFFFFE0];
	v1 =	vmul.f32 $1.131370830e+01, v1  }
0x59: {  	[tilespmem:s6+$0xFFFFFF80] =	vst v0;
	v0 =	vmul.f32 $1.131370830e+01, v2;
	v2 =	vld [tilespmem:s6+$0x0]  }
0x5a: {  	[tilespmem:s6+$0xFFFFFF90] =	vst v1;
	v1 =	vmul.f32 $1.131370830e+01, v3;
	v3 =	vld [tilespmem:s6+$0x10]  }
0x5b: {  	[tilespmem:s6+$0xFFFFFFA0] =	vst v0;
	v0 =	vmul.f32 $1.131370830e+01, v4;
	v4 =	vld [tilespmem:s6+$0x20]  }
0x5c: {  	v7 =	vld [tilespmem:s6+$0x30];
	[tilespmem:s6+$0xFFFFFFB0] =	vst v1;
	v1 =	vmul.f32 $1.131370830e+01, v5  }
0x5d: {  	v5 =	vmul.f32 $1.131370830e+01, v6;
	[tilespmem:s6+$0xFFFFFFC0] =	vst v0;
	v0 =	vld [tilespmem:s6+$0x40]  }
0x5e: {  	[tilespmem:s6+$0xFFFFFFD0] =	vst v1;
	v1 =	vld [tilespmem:s6+$0x50];
	v2 =	vmul.f32 $1.131370830e+01, v2  }
0x5f: {  	[tilespmem:s6+$0xFFFFFFE0] =	vst v5;
	v6 =	vmul.f32 $1.131370830e+01, v3;
	v3 =	vld [tilespmem:s6+$0x60]  }
0x60: {  	[tilespmem:s6+$0x0] =	vst v2;
	v5 =	vmul.f32 $1.131370830e+01, v4;
	v4 =	vld [tilespmem:s6+$0x70]  }
0x61: {  	s20 =	sadd.s32 $0x1, s20;
	s11 =	simm.s32 $0x0;
	s12 =	simm.s32 $0xA580;
	v2 =	vld [tilespmem:s6+$0xFFFFFFF0];
	[tilespmem:s6+$0x10] =	vst v6;
	v6 =	vmul.f32 $1.131370830e+01, v7  }
.LBB2_5:
0x62: {  	v7 =	vld [tilespmem:s12+$0xFFFFFF80];
	[tilespmem:s6+$0x20] =	vst v5;
	v0 =	vmul.f32 $1.131370830e+01, v0  }
0x63: {  	v5 =	vld [tilespmem:s12+$0xFFFFFF90];
	[tilespmem:s6+$0x30] =	vst v6;
	v1 =	vmul.f32 $1.131370830e+01, v1  }
0x64: {  	v6 =	vld [tilespmem:s12+$0xFFFFFFA0];
	[tilespmem:s6+$0x40] =	vst v0;
	v0 =	vmul.f32 $1.131370830e+01, v3  }
0x65: {  	v3 =	vld [tilespmem:s12+$0xFFFFFFB0];
	[tilespmem:s6+$0x50] =	vst v1;
	v1 =	vmul.f32 $1.131370830e+01, v4  }
0x66: {  	v4 =	vld [tilespmem:s12+$0xFFFFFFC0];
	v2 =	vmul.f32 $1.131370830e+01, v2;
	[tilespmem:s6+$0x60] =	vst v0  }
0x67: {  	v0 =	vmul.f32 $1.131370830e+01, v7;
	v7 =	vld [tilespmem:s12+$0xFFFFFFD0];
	[tilespmem:s6+$0x70] =	vst v1  }
0x68: {  	v1 =	vmul.f32 $1.131370830e+01, v5;
	v5 =	vld [tilespmem:s12+$0xFFFFFFE0];
	[tilespmem:s6+$0xFFFFFFF0] =	vst v2;
	s6 =	smov.u32 s12  }
0x69: {  	[tilespmem:s12+$0xFFFFFF80] =	vst v0;
	v0 =	vmul.f32 $1.131370830e+01, v6;
	v2 =	vld [tilespmem:s12+$0x0]  }
0x6a: {  	[tilespmem:s12+$0xFFFFFF90] =	vst v1;
	v1 =	vmul.f32 $1.131370830e+01, v3;
	v3 =	vld [tilespmem:s12+$0x10]  }
0x6b: {  	s11 =	sadd.s32 $0x2, s11;
	[tilespmem:s12+$0xFFFFFFA0] =	vst v0;
	v0 =	vmul.f32 $1.131370830e+01, v4;
	v4 =	vld [tilespmem:s12+$0x20]  }
0x6c: {  	p1 =	slt.u32 s11, $0x7E;
	[tilespmem:s12+$0xFFFFFFB0] =	vst v1;
	v1 =	vmul.f32 $1.131370830e+01, v7;
	v6 =	vld [tilespmem:s12+$0x30]  }
.Ltmp1:
0x6d: {  	[tilespmem:s12+$0xFFFFFFC0] =	vst v0;
	v5 =	vmul.f32 $1.131370830e+01, v5;
	v0 =	vld [tilespmem:s12+$0x40];
	(pc) =	sbr.rel @p1 .LBB2_5-.Ltmp1, $4  }
0x6e: {  	[tilespmem:s12+$0xFFFFFFD0] =	vst v1;
	v2 =	vmul.f32 $1.131370830e+01, v2;
	v1 =	vld [tilespmem:s12+$0x50]  }
0x6f: {  	[tilespmem:s12+$0xFFFFFFE0] =	vst v5;
	v7 =	vmul.f32 $1.131370830e+01, v3;
	v3 =	vld [tilespmem:s12+$0x60]  }
0x70: {  	[tilespmem:s12+$0x0] =	vst v2;
	v5 =	vmul.f32 $1.131370830e+01, v4;
	v4 =	vld [tilespmem:s12+$0x70]  }
0x71: {  	s12 =	sadd.s32 $0x100, s12;
	v2 =	vld [tilespmem:s6+$0xFFFFFFF0];
	[tilespmem:s6+$0x10] =	vst v7;
	v6 =	vmul.f32 $1.131370830e+01, v6  }
0x72: {  	[tilespmem:s6+$0x20] =	vst v5;
	v0 =	vmul.f32 $1.131370830e+01, v0  }
0x73: {  	[tilespmem:s6+$0x30] =	vst v6;
	v1 =	vmul.f32 $1.131370830e+01, v1  }
0x74: {  	[tilespmem:s6+$0x40] =	vst v0;
	v0 =	vmul.f32 $1.131370830e+01, v3  }
0x75: {  	[tilespmem:s6+$0x50] =	vst v1;
	v1 =	vmul.f32 $1.131370830e+01, v4  }
0x76: {  	s11 =	sadd.s32 s16, s7;
	v2 =	vmul.f32 $1.131370830e+01, v2;
	[tilespmem:s6+$0x60] =	vst v0  }
0x77: {  	s11 =	sshll.u32 s11, $0x4;
	[tilespmem:s6+$0x70] =	vst v1  }
0x78: {  	s12 =	sadd.s32 s3, s11;
	[tilespmem:s6+$0xFFFFFFF0] =	vst v2;
	s6 =	simm.s32 @!p0 $0x7  }
0x79: {  	[hbm4b:s12+s4] =	stream.linear.scatter [tilespmem:s15], [sflag:$0x7], $0x4000, $0x38;
	[tilespmem:$0x1A400] =	vst v63  }
0x7a: {  	_ =	swait.ge @!p0 [sflag:s6], $0x4000  }
0x7b: {  	s11 =	simm.s32 @!p0 $0x80;
	[sflag:s6] =	ssyncset.done @!p0 $0x0  }
0x7c: {  	s12 =	simm.s32 @!p0 $0xA400;
	[sflag:s6] =	ssyncadd.s32 @!p0 $0xFFFFC000;
	s6 =	sadd.s32 @!p0 $0x300, s18  }
0x7d: {  	[tilespmem:s12], [sflag:$0x2] =	stream.indirect.gather @!p0 [hbm4b:s2+s11], $0x80, s6, s11, $0xb8;
	[tilespmem:$0x1A400] =	vst v63  }
0x7e: {  	_ =	swait.ge [sflag:s24], $0x4000  }
0x7f: {  	[sflag:s24] =	ssyncset.done $0x0  }
0x80: {  	s6 =	simm.s32 $0xE480;
	[sflag:s24] =	ssyncadd.s32 $0xFFFFC000  }
0x81: {  	v0 =	vld [tilespmem:s6+$0xFFFFFF80]  }
0x82: {  	v1 =	vld [tilespmem:s6+$0xFFFFFF90]  }
0x83: {  	v2 =	vld [tilespmem:s6+$0xFFFFFFA0]  }
0x84: {  	v3 =	vld [tilespmem:s6+$0xFFFFFFB0]  }
0x85: {  	v4 =	vld [tilespmem:s6+$0xFFFFFFC0]  }
0x86: {  	v5 =	vld [tilespmem:s6+$0xFFFFFFD0];
	v0 =	vmul.f32 $1.131370830e+01, v0  }
0x87: {  	v6 =	vld [tilespmem:s6+$0xFFFFFFE0];
	v1 =	vmul.f32 $1.131370830e+01, v1  }
0x88: {  	[tilespmem:s6+$0xFFFFFF80] =	vst v0;
	v0 =	vmul.f32 $1.131370830e+01, v2;
	v2 =	vld [tilespmem:s6+$0x0]  }
0x89: {  	[tilespmem:s6+$0xFFFFFF90] =	vst v1;
	v1 =	vmul.f32 $1.131370830e+01, v3;
	v3 =	vld [tilespmem:s6+$0x10]  }
0x8a: {  	[tilespmem:s6+$0xFFFFFFA0] =	vst v0;
	v0 =	vmul.f32 $1.131370830e+01, v4;
	v4 =	vld [tilespmem:s6+$0x20]  }
0x8b: {  	v7 =	vld [tilespmem:s6+$0x30];
	[tilespmem:s6+$0xFFFFFFB0] =	vst v1;
	v1 =	vmul.f32 $1.131370830e+01, v5  }
0x8c: {  	v5 =	vmul.f32 $1.131370830e+01, v6;
	[tilespmem:s6+$0xFFFFFFC0] =	vst v0;
	v0 =	vld [tilespmem:s6+$0x40]  }
0x8d: {  	[tilespmem:s6+$0xFFFFFFD0] =	vst v1;
	v1 =	vld [tilespmem:s6+$0x50];
	v2 =	vmul.f32 $1.131370830e+01, v2  }
0x8e: {  	[tilespmem:s6+$0xFFFFFFE0] =	vst v5;
	v6 =	vmul.f32 $1.131370830e+01, v3;
	v3 =	vld [tilespmem:s6+$0x60]  }
0x8f: {  	[tilespmem:s6+$0x0] =	vst v2;
	v5 =	vmul.f32 $1.131370830e+01, v4;
	v4 =	vld [tilespmem:s6+$0x70]  }
0x90: {  	s11 =	simm.s32 $0x0;
	s12 =	simm.s32 $0xE580;
	v2 =	vld [tilespmem:s6+$0xFFFFFFF0];
	[tilespmem:s6+$0x10] =	vst v6;
	v6 =	vmul.f32 $1.131370830e+01, v7  }
.LBB2_7:
0x91: {  	v7 =	vld [tilespmem:s12+$0xFFFFFF80];
	[tilespmem:s6+$0x20] =	vst v5;
	v0 =	vmul.f32 $1.131370830e+01, v0  }
0x92: {  	v5 =	vld [tilespmem:s12+$0xFFFFFF90];
	[tilespmem:s6+$0x30] =	vst v6;
	v1 =	vmul.f32 $1.131370830e+01, v1  }
0x93: {  	v6 =	vld [tilespmem:s12+$0xFFFFFFA0];
	[tilespmem:s6+$0x40] =	vst v0;
	v0 =	vmul.f32 $1.131370830e+01, v3  }
0x94: {  	v3 =	vld [tilespmem:s12+$0xFFFFFFB0];
	[tilespmem:s6+$0x50] =	vst v1;
	v1 =	vmul.f32 $1.131370830e+01, v4  }
0x95: {  	v4 =	vld [tilespmem:s12+$0xFFFFFFC0];
	v2 =	vmul.f32 $1.131370830e+01, v2;
	[tilespmem:s6+$0x60] =	vst v0  }
0x96: {  	v0 =	vmul.f32 $1.131370830e+01, v7;
	v7 =	vld [tilespmem:s12+$0xFFFFFFD0];
	[tilespmem:s6+$0x70] =	vst v1  }
0x97: {  	v1 =	vmul.f32 $1.131370830e+01, v5;
	v5 =	vld [tilespmem:s12+$0xFFFFFFE0];
	[tilespmem:s6+$0xFFFFFFF0] =	vst v2;
	s6 =	smov.u32 s12  }
0x98: {  	[tilespmem:s12+$0xFFFFFF80] =	vst v0;
	v0 =	vmul.f32 $1.131370830e+01, v6;
	v2 =	vld [tilespmem:s12+$0x0]  }
0x99: {  	[tilespmem:s12+$0xFFFFFF90] =	vst v1;
	v1 =	vmul.f32 $1.131370830e+01, v3;
	v3 =	vld [tilespmem:s12+$0x10]  }
0x9a: {  	s11 =	sadd.s32 $0x2, s11;
	[tilespmem:s12+$0xFFFFFFA0] =	vst v0;
	v0 =	vmul.f32 $1.131370830e+01, v4;
	v4 =	vld [tilespmem:s12+$0x20]  }
0x9b: {  	p1 =	slt.u32 s11, $0x7E;
	[tilespmem:s12+$0xFFFFFFB0] =	vst v1;
	v1 =	vmul.f32 $1.131370830e+01, v7;
	v6 =	vld [tilespmem:s12+$0x30]  }
.Ltmp2:
0x9c: {  	[tilespmem:s12+$0xFFFFFFC0] =	vst v0;
	v5 =	vmul.f32 $1.131370830e+01, v5;
	v0 =	vld [tilespmem:s12+$0x40];
	(pc) =	sbr.rel @p1 .LBB2_7-.Ltmp2, $4  }
0x9d: {  	[tilespmem:s12+$0xFFFFFFD0] =	vst v1;
	v2 =	vmul.f32 $1.131370830e+01, v2;
	v1 =	vld [tilespmem:s12+$0x50]  }
0x9e: {  	[tilespmem:s12+$0xFFFFFFE0] =	vst v5;
	v7 =	vmul.f32 $1.131370830e+01, v3;
	v3 =	vld [tilespmem:s12+$0x60]  }
0x9f: {  	[tilespmem:s12+$0x0] =	vst v2;
	v5 =	vmul.f32 $1.131370830e+01, v4;
	v4 =	vld [tilespmem:s12+$0x70]  }
0xa0: {  	s12 =	sadd.s32 $0x100, s12;
	v2 =	vld [tilespmem:s6+$0xFFFFFFF0];
	[tilespmem:s6+$0x10] =	vst v7;
	v6 =	vmul.f32 $1.131370830e+01, v6  }
0xa1: {  	[tilespmem:s6+$0x20] =	vst v5;
	v0 =	vmul.f32 $1.131370830e+01, v0  }
0xa2: {  	[tilespmem:s6+$0x30] =	vst v6;
	v1 =	vmul.f32 $1.131370830e+01, v1  }
0xa3: {  	[tilespmem:s6+$0x40] =	vst v0;
	v0 =	vmul.f32 $1.131370830e+01, v3  }
0xa4: {  	[tilespmem:s6+$0x50] =	vst v1;
	v1 =	vmul.f32 $1.131370830e+01, v4  }
0xa5: {  	s11 =	sadd.s32 s16, s8;
	v2 =	vmul.f32 $1.131370830e+01, v2;
	[tilespmem:s6+$0x60] =	vst v0  }
0xa6: {  	s11 =	sshll.u32 s11, $0x4;
	[tilespmem:s6+$0x70] =	vst v1  }
0xa7: {  	s12 =	sadd.s32 s3, s11;
	[tilespmem:s6+$0xFFFFFFF0] =	vst v2;
	s6 =	simm.s32 @!p0 $0x8  }
0xa8: {  	[hbm4b:s12+s4] =	stream.linear.scatter [tilespmem:s17], [sflag:$0x8], $0x4000, $0x38;
	[tilespmem:$0x1A400] =	vst v63  }
0xa9: {  	_ =	swait.ge @!p0 [sflag:s6], $0x4000  }
0xaa: {  	s11 =	simm.s32 @!p0 $0x80;
	[sflag:s6] =	ssyncset.done @!p0 $0x0  }
0xab: {  	s12 =	simm.s32 @!p0 $0xE400;
	[sflag:s6] =	ssyncadd.s32 @!p0 $0xFFFFC000;
	s6 =	sadd.s32 @!p0 $0x380, s18  }
0xac: {  	[tilespmem:s12], [sflag:$0x3] =	stream.indirect.gather @!p0 [hbm4b:s2+s11], $0x80, s6, s11, $0xb8;
	[tilespmem:$0x1A400] =	vst v63  }
0xad: {  	_ =	swait.ge [sflag:s25], $0x4000  }
0xae: {  	[sflag:s25] =	ssyncset.done $0x0  }
0xaf: {  	s6 =	simm.s32 $0x12480;
	[sflag:s25] =	ssyncadd.s32 $0xFFFFC000  }
0xb0: {  	v0 =	vld [tilespmem:s6+$0xFFFFFF80]  }
0xb1: {  	v1 =	vld [tilespmem:s6+$0xFFFFFF90]  }
0xb2: {  	v2 =	vld [tilespmem:s6+$0xFFFFFFA0]  }
0xb3: {  	v3 =	vld [tilespmem:s6+$0xFFFFFFB0]  }
0xb4: {  	v4 =	vld [tilespmem:s6+$0xFFFFFFC0]  }
0xb5: {  	v5 =	vld [tilespmem:s6+$0xFFFFFFD0];
	v0 =	vmul.f32 $1.131370830e+01, v0  }
0xb6: {  	v6 =	vld [tilespmem:s6+$0xFFFFFFE0];
	v1 =	vmul.f32 $1.131370830e+01, v1  }
0xb7: {  	[tilespmem:s6+$0xFFFFFF80] =	vst v0;
	v0 =	vmul.f32 $1.131370830e+01, v2;
	v2 =	vld [tilespmem:s6+$0x0]  }
0xb8: {  	[tilespmem:s6+$0xFFFFFF90] =	vst v1;
	v1 =	vmul.f32 $1.131370830e+01, v3;
	v3 =	vld [tilespmem:s6+$0x10]  }
0xb9: {  	[tilespmem:s6+$0xFFFFFFA0] =	vst v0;
	v0 =	vmul.f32 $1.131370830e+01, v4;
	v4 =	vld [tilespmem:s6+$0x20]  }
0xba: {  	v7 =	vld [tilespmem:s6+$0x30];
	[tilespmem:s6+$0xFFFFFFB0] =	vst v1;
	v1 =	vmul.f32 $1.131370830e+01, v5  }
0xbb: {  	v5 =	vmul.f32 $1.131370830e+01, v6;
	[tilespmem:s6+$0xFFFFFFC0] =	vst v0;
	v0 =	vld [tilespmem:s6+$0x40]  }
0xbc: {  	[tilespmem:s6+$0xFFFFFFD0] =	vst v1;
	v1 =	vld [tilespmem:s6+$0x50];
	v2 =	vmul.f32 $1.131370830e+01, v2  }
0xbd: {  	[tilespmem:s6+$0xFFFFFFE0] =	vst v5;
	v6 =	vmul.f32 $1.131370830e+01, v3;
	v3 =	vld [tilespmem:s6+$0x60]  }
0xbe: {  	[tilespmem:s6+$0x0] =	vst v2;
	v5 =	vmul.f32 $1.131370830e+01, v4;
	v4 =	vld [tilespmem:s6+$0x70]  }
0xbf: {  	s11 =	simm.s32 $0x0;
	s12 =	simm.s32 $0x12580;
	v2 =	vld [tilespmem:s6+$0xFFFFFFF0];
	[tilespmem:s6+$0x10] =	vst v6;
	v6 =	vmul.f32 $1.131370830e+01, v7  }
.LBB2_9:
0xc0: {  	v7 =	vld [tilespmem:s12+$0xFFFFFF80];
	[tilespmem:s6+$0x20] =	vst v5;
	v0 =	vmul.f32 $1.131370830e+01, v0  }
0xc1: {  	v5 =	vld [tilespmem:s12+$0xFFFFFF90];
	[tilespmem:s6+$0x30] =	vst v6;
	v1 =	vmul.f32 $1.131370830e+01, v1  }
0xc2: {  	v6 =	vld [tilespmem:s12+$0xFFFFFFA0];
	[tilespmem:s6+$0x40] =	vst v0;
	v0 =	vmul.f32 $1.131370830e+01, v3  }
0xc3: {  	v3 =	vld [tilespmem:s12+$0xFFFFFFB0];
	[tilespmem:s6+$0x50] =	vst v1;
	v1 =	vmul.f32 $1.131370830e+01, v4  }
0xc4: {  	v4 =	vld [tilespmem:s12+$0xFFFFFFC0];
	v2 =	vmul.f32 $1.131370830e+01, v2;
	[tilespmem:s6+$0x60] =	vst v0  }
0xc5: {  	v0 =	vmul.f32 $1.131370830e+01, v7;
	v7 =	vld [tilespmem:s12+$0xFFFFFFD0];
	[tilespmem:s6+$0x70] =	vst v1  }
0xc6: {  	v1 =	vmul.f32 $1.131370830e+01, v5;
	v5 =	vld [tilespmem:s12+$0xFFFFFFE0];
	[tilespmem:s6+$0xFFFFFFF0] =	vst v2;
	s6 =	smov.u32 s12  }
0xc7: {  	[tilespmem:s12+$0xFFFFFF80] =	vst v0;
	v0 =	vmul.f32 $1.131370830e+01, v6;
	v2 =	vld [tilespmem:s12+$0x0]  }
0xc8: {  	[tilespmem:s12+$0xFFFFFF90] =	vst v1;
	v1 =	vmul.f32 $1.131370830e+01, v3;
	v3 =	vld [tilespmem:s12+$0x10]  }
0xc9: {  	s11 =	sadd.s32 $0x2, s11;
	[tilespmem:s12+$0xFFFFFFA0] =	vst v0;
	v0 =	vmul.f32 $1.131370830e+01, v4;
	v4 =	vld [tilespmem:s12+$0x20]  }
0xca: {  	p1 =	slt.u32 s11, $0x7E;
	[tilespmem:s12+$0xFFFFFFB0] =	vst v1;
	v1 =	vmul.f32 $1.131370830e+01, v7;
	v6 =	vld [tilespmem:s12+$0x30]  }
.Ltmp3:
0xcb: {  	[tilespmem:s12+$0xFFFFFFC0] =	vst v0;
	v5 =	vmul.f32 $1.131370830e+01, v5;
	v0 =	vld [tilespmem:s12+$0x40];
	(pc) =	sbr.rel @p1 .LBB2_9-.Ltmp3, $4  }
0xcc: {  	[tilespmem:s12+$0xFFFFFFD0] =	vst v1;
	v2 =	vmul.f32 $1.131370830e+01, v2;
	v1 =	vld [tilespmem:s12+$0x50]  }
0xcd: {  	[tilespmem:s12+$0xFFFFFFE0] =	vst v5;
	v7 =	vmul.f32 $1.131370830e+01, v3;
	v3 =	vld [tilespmem:s12+$0x60]  }
0xce: {  	[tilespmem:s12+$0x0] =	vst v2;
	v5 =	vmul.f32 $1.131370830e+01, v4;
	v4 =	vld [tilespmem:s12+$0x70]  }
0xcf: {  	s12 =	sadd.s32 $0x100, s12;
	v2 =	vld [tilespmem:s6+$0xFFFFFFF0];
	[tilespmem:s6+$0x10] =	vst v7;
	v6 =	vmul.f32 $1.131370830e+01, v6  }
0xd0: {  	[tilespmem:s6+$0x20] =	vst v5;
	v0 =	vmul.f32 $1.131370830e+01, v0  }
0xd1: {  	[tilespmem:s6+$0x30] =	vst v6;
	v1 =	vmul.f32 $1.131370830e+01, v1  }
0xd2: {  	[tilespmem:s6+$0x40] =	vst v0;
	v0 =	vmul.f32 $1.131370830e+01, v3  }
0xd3: {  	[tilespmem:s6+$0x50] =	vst v1;
	v1 =	vmul.f32 $1.131370830e+01, v4  }
0xd4: {  	s11 =	sadd.s32 s16, s9;
	v2 =	vmul.f32 $1.131370830e+01, v2;
	[tilespmem:s6+$0x60] =	vst v0  }
0xd5: {  	s11 =	sshll.u32 s11, $0x4;
	[tilespmem:s6+$0x70] =	vst v1  }
0xd6: {  	s12 =	sadd.s32 s3, s11;
	[tilespmem:s6+$0xFFFFFFF0] =	vst v2;
	s6 =	simm.s32 @!p0 $0x9  }
0xd7: {  	[hbm4b:s12+s4] =	stream.linear.scatter [tilespmem:s19], [sflag:$0x9], $0x4000, $0x38;
	[tilespmem:$0x1A400] =	vst v63  }
0xd8: {  	_ =	swait.ge @!p0 [sflag:s6], $0x4000  }
0xd9: {  	s11 =	simm.s32 @!p0 $0x80;
	[sflag:s6] =	ssyncset.done @!p0 $0x0  }
0xda: {  	s12 =	simm.s32 @!p0 $0x12400;
	[sflag:s6] =	ssyncadd.s32 @!p0 $0xFFFFC000;
	s6 =	sadd.s32 @!p0 $0x400, s18  }
0xdb: {  	[tilespmem:s12], [sflag:$0x4] =	stream.indirect.gather @!p0 [hbm4b:s2+s11], $0x80, s6, s11, $0xb8;
	[tilespmem:$0x1A400] =	vst v63  }
0xdc: {  	_ =	swait.ge [sflag:s26], $0x4000  }
0xdd: {  	[sflag:s26] =	ssyncset.done $0x0  }
0xde: {  	s6 =	simm.s32 $0x16480;
	[sflag:s26] =	ssyncadd.s32 $0xFFFFC000  }
0xdf: {  	v0 =	vld [tilespmem:s6+$0xFFFFFF80]  }
0xe0: {  	v1 =	vld [tilespmem:s6+$0xFFFFFF90]  }
0xe1: {  	v2 =	vld [tilespmem:s6+$0xFFFFFFA0]  }
0xe2: {  	v3 =	vld [tilespmem:s6+$0xFFFFFFB0]  }
0xe3: {  	v4 =	vld [tilespmem:s6+$0xFFFFFFC0]  }
0xe4: {  	v5 =	vld [tilespmem:s6+$0xFFFFFFD0];
	v0 =	vmul.f32 $1.131370830e+01, v0  }
0xe5: {  	v6 =	vld [tilespmem:s6+$0xFFFFFFE0];
	v1 =	vmul.f32 $1.131370830e+01, v1  }
0xe6: {  	[tilespmem:s6+$0xFFFFFF80] =	vst v0;
	v0 =	vmul.f32 $1.131370830e+01, v2;
	v2 =	vld [tilespmem:s6+$0x0]  }
0xe7: {  	[tilespmem:s6+$0xFFFFFF90] =	vst v1;
	v1 =	vmul.f32 $1.131370830e+01, v3;
	v3 =	vld [tilespmem:s6+$0x10]  }
0xe8: {  	[tilespmem:s6+$0xFFFFFFA0] =	vst v0;
	v0 =	vmul.f32 $1.131370830e+01, v4;
	v4 =	vld [tilespmem:s6+$0x20]  }
0xe9: {  	v7 =	vld [tilespmem:s6+$0x30];
	[tilespmem:s6+$0xFFFFFFB0] =	vst v1;
	v1 =	vmul.f32 $1.131370830e+01, v5  }
0xea: {  	v5 =	vmul.f32 $1.131370830e+01, v6;
	[tilespmem:s6+$0xFFFFFFC0] =	vst v0;
	v0 =	vld [tilespmem:s6+$0x40]  }
0xeb: {  	[tilespmem:s6+$0xFFFFFFD0] =	vst v1;
	v1 =	vld [tilespmem:s6+$0x50];
	v2 =	vmul.f32 $1.131370830e+01, v2  }
0xec: {  	[tilespmem:s6+$0xFFFFFFE0] =	vst v5;
	v6 =	vmul.f32 $1.131370830e+01, v3;
	v3 =	vld [tilespmem:s6+$0x60]  }
0xed: {  	[tilespmem:s6+$0x0] =	vst v2;
	v5 =	vmul.f32 $1.131370830e+01, v4;
	v4 =	vld [tilespmem:s6+$0x70]  }
0xee: {  	s11 =	simm.s32 $0x0;
	s12 =	simm.s32 $0x16580;
	v2 =	vld [tilespmem:s6+$0xFFFFFFF0];
	[tilespmem:s6+$0x10] =	vst v6;
	v6 =	vmul.f32 $1.131370830e+01, v7  }
.LBB2_11:
0xef: {  	v7 =	vld [tilespmem:s12+$0xFFFFFF80];
	[tilespmem:s6+$0x20] =	vst v5;
	v0 =	vmul.f32 $1.131370830e+01, v0  }
0xf0: {  	v5 =	vld [tilespmem:s12+$0xFFFFFF90];
	[tilespmem:s6+$0x30] =	vst v6;
	v1 =	vmul.f32 $1.131370830e+01, v1  }
0xf1: {  	v6 =	vld [tilespmem:s12+$0xFFFFFFA0];
	[tilespmem:s6+$0x40] =	vst v0;
	v0 =	vmul.f32 $1.131370830e+01, v3  }
0xf2: {  	v3 =	vld [tilespmem:s12+$0xFFFFFFB0];
	[tilespmem:s6+$0x50] =	vst v1;
	v1 =	vmul.f32 $1.131370830e+01, v4  }
0xf3: {  	v4 =	vld [tilespmem:s12+$0xFFFFFFC0];
	v2 =	vmul.f32 $1.131370830e+01, v2;
	[tilespmem:s6+$0x60] =	vst v0  }
0xf4: {  	v0 =	vmul.f32 $1.131370830e+01, v7;
	v7 =	vld [tilespmem:s12+$0xFFFFFFD0];
	[tilespmem:s6+$0x70] =	vst v1  }
0xf5: {  	v1 =	vmul.f32 $1.131370830e+01, v5;
	v5 =	vld [tilespmem:s12+$0xFFFFFFE0];
	[tilespmem:s6+$0xFFFFFFF0] =	vst v2;
	s6 =	smov.u32 s12  }
0xf6: {  	[tilespmem:s12+$0xFFFFFF80] =	vst v0;
	v0 =	vmul.f32 $1.131370830e+01, v6;
	v2 =	vld [tilespmem:s12+$0x0]  }
0xf7: {  	[tilespmem:s12+$0xFFFFFF90] =	vst v1;
	v1 =	vmul.f32 $1.131370830e+01, v3;
	v3 =	vld [tilespmem:s12+$0x10]  }
0xf8: {  	s11 =	sadd.s32 $0x2, s11;
	[tilespmem:s12+$0xFFFFFFA0] =	vst v0;
	v0 =	vmul.f32 $1.131370830e+01, v4;
	v4 =	vld [tilespmem:s12+$0x20]  }
0xf9: {  	p1 =	slt.u32 s11, $0x7E;
	[tilespmem:s12+$0xFFFFFFB0] =	vst v1;
	v1 =	vmul.f32 $1.131370830e+01, v7;
	v6 =	vld [tilespmem:s12+$0x30]  }
.Ltmp4:
0xfa: {  	[tilespmem:s12+$0xFFFFFFC0] =	vst v0;
	v5 =	vmul.f32 $1.131370830e+01, v5;
	v0 =	vld [tilespmem:s12+$0x40];
	(pc) =	sbr.rel @p1 .LBB2_11-.Ltmp4, $4  }
0xfb: {  	[tilespmem:s12+$0xFFFFFFD0] =	vst v1;
	v2 =	vmul.f32 $1.131370830e+01, v2;
	v1 =	vld [tilespmem:s12+$0x50]  }
0xfc: {  	[tilespmem:s12+$0xFFFFFFE0] =	vst v5;
	v7 =	vmul.f32 $1.131370830e+01, v3;
	v3 =	vld [tilespmem:s12+$0x60]  }
0xfd: {  	[tilespmem:s12+$0x0] =	vst v2;
	v5 =	vmul.f32 $1.131370830e+01, v4;
	v4 =	vld [tilespmem:s12+$0x70]  }
0xfe: {  	s12 =	sadd.s32 $0x100, s12;
	v2 =	vld [tilespmem:s6+$0xFFFFFFF0];
	[tilespmem:s6+$0x10] =	vst v7;
	v6 =	vmul.f32 $1.131370830e+01, v6  }
0xff: {  	[tilespmem:s6+$0x20] =	vst v5;
	v0 =	vmul.f32 $1.131370830e+01, v0  }
0x100: {  	[tilespmem:s6+$0x30] =	vst v6;
	v1 =	vmul.f32 $1.131370830e+01, v1  }
0x101: {  	[tilespmem:s6+$0x40] =	vst v0;
	v62 =	vmul.f32 $1.131370830e+01, v3  }
0x102: {  	[tilespmem:s6+$0x50] =	vst v1;
	v63 =	vmul.f32 $1.131370830e+01, v4  }
0x103: {  	s11 =	sadd.s32 s16, s10;
	v2 =	vmul.f32 $1.131370830e+01, v2;
	[tilespmem:s6+$0x60] =	vst v62  }
0x104: {  	s11 =	sshll.u32 s11, $0x4;
	[tilespmem:s6+$0x70] =	vst v63  }
0x105: {  	s16 =	sadd.s32 s3, s11;
	[tilespmem:s6+$0xFFFFFFF0] =	vst v2;
	s6 =	simm.s32 @!p0 $0xA  }
0x106: {  	[hbm4b:s16+s4] =	stream.linear.scatter [tilespmem:s21], [sflag:$0xA], $0x4000, $0x38;
	[tilespmem:$0x1A400] =	vst v63  }
0x107: {  	_ =	swait.ge @!p0 [sflag:s6], $0x4000  }
0x108: {  	s12 =	simm.s32 @!p0 $0x16400;
	p1 =	sne.s32 @!p0 s20, $0x28;
	[sflag:s6] =	ssyncset.done @!p0 $0x0  }
0x109: {  	s11 =	simm.s32 @!p0 $0x80;
	[sflag:s6] =	ssyncadd.s32 @!p0 $0xFFFFC000;
	s6 =	sadd.s32 @!p0 $0x480, s18  }
0x10a: {  	[tilespmem:s12], [sflag:$0x5] =	stream.indirect.gather @!p0 [hbm4b:s2+s11], $0x80, s6, s11, $0xb8;
	[tilespmem:$0x1A400] =	vst v63  }
0x10b: {  	p0 =	por p0, !p1  }
.Ltmp5:
0x10c: {  	_ = 	snop;
	(pc) =	sbr.rel @!p0 .LBB2_2-.Ltmp5, $1  }
0x10d: {  	_ =	sdelay $0x3  }
0x10e: {  	_ =	swait.ge [sflag:s28], $0x4000  }
0x10f: {  	[sflag:s28] =	ssyncset.done $0x0  }
0x110: {  	[sflag:s28] =	ssyncadd.s32 $0xFFFFC000  }
0x111: {  	_ =	swait.ge [sflag:s29], $0x4000  }
0x112: {  	[sflag:s29] =	ssyncset.done $0x0  }
0x113: {  	[sflag:s29] =	ssyncadd.s32 $0xFFFFC000  }
0x114: {  	_ =	swait.ge [sflag:s30], $0x4000  }
0x115: {  	[sflag:s30] =	ssyncset.done $0x0  }
0x116: {  	[sflag:s30] =	ssyncadd.s32 $0xFFFFC000  }
0x117: {  	_ =	swait.ge [sflag:s31], $0x4000  }
0x118: {  	[sflag:s31] =	ssyncset.done $0x0  }
0x119: {  	[sflag:s31] =	ssyncadd.s32 $0xFFFFC000  }
0x11a: {  	_ =	swait.ge [sflag:s1], $0x4000  }
0x11b: {  	s0 =	sadd.s32 $0x1, s0;
	s6 =	rddreg [dreg:$0x5]  }
0x11c: {  	p0 =	sne.s32 s0, s6  }
.Ltmp6:
0x11d: {  	_ = 	snop;
	(pc) =	sbr.rel @p0 .LBB2_1-.Ltmp6, $3  }
0x11e: {  	_ =	sdelay $0x1  }
0x11f: {  	[sflag:s1] =	ssyncset.done $0x0  }
0x120: {  	[sflag:s1] =	ssyncadd.s32 $0xFFFFC000  }
0x121: {  	_ =	sfence.sel $0x180000  }
0x122: {  	[bflag:$0x0] =	sbarrier.arrive $0xFFFF  }
0x123: {  	_ =	strace $0x90000047  }
0x124: {  	s0 =	stileid.u32;
	[bflag:$0x2] =	sbarrier.arrive $0xFFFF  }
0x125: {  	p0 =	sne.s32 s0, $0x0;
	s0 =	rddreg [dreg:$0x3]  }
0x126: {  	s0 =	sadd.s32 @!p0 $0x100000, s0  }
0x127: {  	[sflag:s0] =	ssyncadd.tile.s32 @!p0 $0x1;
	_ =	shalt  }
.Lfunc_end2:
_tile_overlayer_lowered:
.L_overlay_start_2:
0x128: {  	(tag) =	ssettag $0x2  }
0x129: {  	s0 =	rddreg [dreg:$0x0];
	s2 =	stileid.u32  }
0x12a: {  	s1 =	rddreg [dreg:$0x1];
	p0 =	sne.s32 s2, $0x0  }
0x12b: {  	s3 =	rddreg [dreg:$0x2];
	[bflag:$0x3] =	sbarrier.arrive $0xFFFF;
	s2 =	simm.s32 @!p0 $0x1C0B  }
0x12c: {  	[timem:s3], [sflag:s2] =	dma.local @!p0 [hbm:s0], s1  }
0x12d: {  	s0 =	simm.s32 @!p0 $0xB  }
0x12e: {  	_ =	swait.ge @!p0 [sflag:s0], s1  }
0x12f: {  	s1 =	ssub.s32 @!p0 $0x0, s1;
	[sflag:s0] =	ssyncset.done @!p0 $0x0  }
0x130: {  	[sflag:s0] =	ssyncadd.s32 @!p0 s1  }
0x131: {  	[bflag:$0x3] =	sbarrier.arrive $0xFFFF  }
0x132: {  	_ =	shalt  }

</sc_bundles>
